<compile_context>
chip_gen: v7x
topology: tpu7x:2x2x1
jax: 0.10.2.dev20260603
libtpu: 0.0.44.dev20260713+nightly
codegen_flags: <defaults>
</compile_context>

<pallas_src>
import functools

import jax
import jax.numpy as jnp
from jax import lax
from jax.experimental import pallas as pl
from jax.experimental.pallas import tpu as pltpu
from jax.experimental.pallas import tpu_sc as plsc


def kernel(right_input, disparity_samples):
    B, C, H, W = right_input.shape
    S = disparity_samples.shape[1]
    info = plsc.get_sparse_core_info()
    NC, NS, L = info.num_cores, info.num_subcores, info.num_lanes
    NW = NC * NS
    rows_per_w = (B * H) // NW
    mesh = plsc.VectorSubcoreMesh(core_axis_name="c", subcore_axis_name="s")

    @functools.partial(
        pl.kernel,
        mesh=mesh,
        out_type=jax.ShapeDtypeStruct((B, C, S, H, W), jnp.float32),
        scratch_types=[
            pltpu.VMEM((C, W), jnp.float32),
            pltpu.VMEM((S, W), jnp.float32),
            pltpu.VMEM((C, S, W), jnp.float32),
        ],
        compiler_params=pltpu.CompilerParams(use_tc_tiling_on_sc=False, needs_layout_passes=False),
    )
    def sc_warp(right_hbm, disp_hbm, out_hbm, r_v, d_v, o_v):
        wid = lax.axis_index("s") * NC + lax.axis_index("c")

        def h_body(i, carry):
            row = wid * rows_per_w + i
            b = row // H
            h = row % H
            pltpu.sync_copy(right_hbm.at[b, :, h], r_v)
            pltpu.sync_copy(disp_hbm.at[b, :, h], d_v)

            def s_body(s, carry):
                def k_body(k, carry):
                    wbase = k * L
                    wf = (lax.iota(jnp.int32, L) + wbase).astype(jnp.float32)
                    d = d_v[s, pl.ds(wbase, L)]
                    t = jnp.clip(wf - d, 0.0, float(W - 1))
                    idx = t.astype(jnp.int32)
                    for c in range(C):
                        ci = jnp.full((L,), c, jnp.int32)
                        o_v[c, s, pl.ds(wbase, L)] = plsc.load_gather(r_v, [ci, idx])
                    return carry

                return lax.fori_loop(0, W // L, k_body, carry)

            lax.fori_loop(0, S, s_body, 0)
            pltpu.sync_copy(o_v, out_hbm.at[b, :, :, h])
            return carry

        lax.fori_loop(0, rows_per_w, h_body, 0)

    return sc_warp(right_input, disparity_samples)

# --- scband reference (transcript-rebuilt; emitter-appended) ---
"""Pipeline reference for scband-image-reconstruction-24352464569119 (READ-ONLY COPY).

The authoritative reference and input builder live on the scoring server;
editing this copy changes nothing except your own understanding.
"""

import jax, jax.numpy as jnp
import numpy as np


def setup_inputs(seed: int = 0) -> dict:
    key = jax.random.key(seed)
    k1, k2 = jax.random.split(key)
    right_input = jax.random.normal(k1, (2, 32, 128, 256), dtype=jnp.float32)
    disparity_samples = jax.random.uniform(k2, (2, 10, 128, 256), dtype=jnp.float32)
    return {"right_input": right_input, "disparity_samples": disparity_samples}


def reference(right_input, disparity_samples):
    # ImageReconstruction (PatchMatch stereo): warp the right feature map/image
    # towards the left view using per-sample disparities via a horizontal gather.
    B, C, H, W = right_input.shape
    S = disparity_samples.shape[1]
    y = jnp.arange(W, dtype=jnp.float32)
    left_y_coordinate = jnp.broadcast_to(y[None, None, None, :], (B, S, H, W))
    left_y_coordinate = jnp.clip(left_y_coordinate, 0.0, W - 1)
    right_y_coordinate = left_y_coordinate - disparity_samples
    right_y_coordinate = jnp.clip(right_y_coordinate, 0.0, W - 1)
    idx = right_y_coordinate.astype(jnp.int32)
    # expand right feature map over samples: [B, C, S, H, W]
    right_feature_map = jnp.broadcast_to(right_input[:, :, None, :, :], (B, C, S, H, W))
    idx_full = jnp.broadcast_to(idx[:, None, :, :, :], (B, C, S, H, W))
    warped_right_feature_map = jnp.take_along_axis(right_feature_map, idx_full, axis=4)
    return warped_right_feature_map

if __name__ == "__main__":
    import jax
    _d = setup_inputs()
    print(jax.jit(kernel)(*tuple(_d.values())))

</pallas_src>

<mosaic_0001>
#map = affine_map<(d0, d1) -> (0, 0, 0, 0)>
#map1 = affine_map<(d0, d1) -> (0, 0, 0, 0, 0)>
module attributes {stable_mosaic.version = 14 : i64} {
  func.func @sc_warp(%arg0: i32, %arg1: i32, %arg2: memref<2x32x128x256xf32, #tpu.memory_space<hbm>>, %arg3: memref<2x10x128x256xf32, #tpu.memory_space<hbm>>, %arg4: memref<2x32x10x128x256xf32, #tpu.memory_space<hbm>>, %arg5: memref<32x256xf32, #tpu.memory_space<vmem>>, %arg6: memref<10x256xf32, #tpu.memory_space<vmem>>, %arg7: memref<32x10x256xf32, #tpu.memory_space<vmem>>) attributes {dimension_semantics = [#tpu.dimension_semantics<core_parallel>, #tpu.dimension_semantics<subcore_parallel>], iteration_bounds = array<i64: 2, 16>, scalar_prefetch = 0 : i64, scratch_operands = 3 : i64, tpu.core_type = #tpu.core_type<sc_vector_subcore>, window_params = [{transform_indices = #map}, {transform_indices = #map}, {transform_indices = #map1}]} {
    %mul3A = arith.constant 2 : i32
    %mul3A_0 = arith.muli %arg1, %mul3A : i32
    %add3A = arith.addi %mul3A_0, %arg0 : i32
    %scan3A = arith.constant 0 : i32
    %scan3A_1 = arith.constant 0 : i32
    %scan3A_2 = arith.constant 8 : i32
    %scan3A_3 = arith.addi %scan3A_1, %scan3A_2 : i32
    %scan3A_4 = arith.constant 1 : i32
    scf.for %scan3A_6 = %scan3A_1 to %scan3A_3 step %scan3A_4  : i32 {
      %mul3A_7 = arith.constant 8 : i32
      %mul3A_8 = arith.muli %add3A, %mul3A_7 : i32
      %add3A_9 = arith.addi %mul3A_8, %scan3A_6 : i32
      %jit3A = arith.constant 128 : i32
      %div3A = arith.divsi %add3A_9, %jit3A : i32
      %sign3A = arith.constant 0 : i32
      %sign3A_10 = arith.cmpi sgt, %add3A_9, %sign3A : i32
      %sign3A_11 = arith.extui %sign3A_10 : i1 to i32
      %sign3A_12 = arith.constant 0 : i32
      %sign3A_13 = arith.cmpi slt, %add3A_9, %sign3A_12 : i32
      %sign3A_14 = arith.extui %sign3A_13 : i1 to i32
      %sign3A_15 = arith.subi %sign3A_11, %sign3A_14 : i32
      %sign3A_16 = arith.constant 0 : i32
      %sign3A_17 = arith.cmpi sgt, %jit3A, %sign3A_16 : i32
      %sign3A_18 = arith.extui %sign3A_17 : i1 to i32
      %sign3A_19 = arith.constant 0 : i32
      %sign3A_20 = arith.cmpi slt, %jit3A, %sign3A_19 : i32
      %sign3A_21 = arith.extui %sign3A_20 : i1 to i32
      %sign3A_22 = arith.subi %sign3A_18, %sign3A_21 : i32
      %ne3A = arith.cmpi ne, %sign3A_15, %sign3A_22 : i32
      %rem3A = arith.remsi %add3A_9, %jit3A : i32
      %ne3A_23 = arith.constant 0 : i32
      %ne3A_24 = arith.cmpi ne, %rem3A, %ne3A_23 : i32
      %and3A = arith.andi %ne3A, %ne3A_24 : i1
      %sub3A = arith.constant 1 : i32
      %sub3A_25 = arith.subi %div3A, %sub3A : i32
      %select_n3A = arith.select %and3A, %sub3A_25, %div3A : i32
      %jit3A_26 = arith.constant 128 : i32
      %eq3A = arith.constant 0 : i32
      %eq3A_27 = arith.cmpi eq, %jit3A_26, %eq3A : i32
      %jit3A_28 = arith.constant 1 : i32
      %select_n3A_29 = arith.select %eq3A_27, %jit3A_28, %jit3A_26 : i32
      %rem3A_30 = arith.remsi %add3A_9, %select_n3A_29 : i32
      %ne3A_31 = arith.constant 0 : i32
      %ne3A_32 = arith.cmpi ne, %rem3A_30, %ne3A_31 : i32
      %lt3A = arith.constant 0 : i32
      %lt3A_33 = arith.cmpi slt, %rem3A_30, %lt3A : i32
      %lt3A_34 = arith.constant 0 : i32
      %lt3A_35 = arith.cmpi slt, %select_n3A_29, %lt3A_34 : i32
      %ne3A_36 = arith.xori %lt3A_33, %lt3A_35 : i1
      %and3A_37 = arith.andi %ne3A_36, %ne3A_32 : i1
      %add3A_38 = arith.addi %rem3A_30, %select_n3A_29 : i32
      %select_n3A_39 = arith.select %and3A_37, %add3A_38, %rem3A_30 : i32
      "tpu.region"() ({
        %run_scoped3A = tpu.sem_alloc : memref<!tpu.dma_semaphore, #tpu.memory_space<semaphore_mem>>
        %dma_start3A = arith.constant 0 : i32
        %dma_start3A_46 = arith.constant 0 : i32
        %dma_start3A_47 = tpu.memref_slice %arg2[%select_n3A, %dma_start3A, %select_n3A_39, %dma_start3A_46] : memref<2x32x128x256xf32, #tpu.memory_space<hbm>> -> memref<1x32x1x256xf32, #tpu.memory_space<hbm>>
        %dma_start3A_48 = tpu.memref_squeeze %dma_start3A_47 : memref<1x32x1x256xf32, #tpu.memory_space<hbm>> -> memref<32x256xf32, #tpu.memory_space<hbm>>
        %dma_start3A_49 = arith.constant 0 : i32
        %dma_start3A_50 = arith.constant 0 : i32
        %dma_start3A_51 = tpu.memref_slice %arg2[%select_n3A, %dma_start3A_49, %select_n3A_39, %dma_start3A_50] : memref<2x32x128x256xf32, #tpu.memory_space<hbm>> -> memref<1x32x1x256xf32, #tpu.memory_space<hbm>>
        %dma_start3A_52 = tpu.memref_squeeze %dma_start3A_51 : memref<1x32x1x256xf32, #tpu.memory_space<hbm>> -> memref<32x256xf32, #tpu.memory_space<hbm>>
        tpu.enqueue_dma source(%dma_start3A_52 : memref<32x256xf32, #tpu.memory_space<hbm>>) target(%arg5 : memref<32x256xf32, #tpu.memory_space<vmem>>) target_semaphore(%run_scoped3A : memref<!tpu.dma_semaphore, #tpu.memory_space<semaphore_mem>>)
        %dma_wait3A = arith.constant 0 : i32
        %dma_wait3A_53 = arith.constant 0 : i32
        %dma_wait3A_54 = tpu.memref_slice %arg2[%select_n3A, %dma_wait3A, %select_n3A_39, %dma_wait3A_53] : memref<2x32x128x256xf32, #tpu.memory_space<hbm>> -> memref<1x32x1x256xf32, #tpu.memory_space<hbm>>
        %dma_wait3A_55 = tpu.memref_squeeze %dma_wait3A_54 : memref<1x32x1x256xf32, #tpu.memory_space<hbm>> -> memref<32x256xf32, #tpu.memory_space<hbm>>
        %dma_wait3A_56 = arith.constant 0 : i32
        %dma_wait3A_57 = arith.constant 0 : i32
        %dma_wait3A_58 = tpu.memref_slice %arg2[%select_n3A, %dma_wait3A_56, %select_n3A_39, %dma_wait3A_57] : memref<2x32x128x256xf32, #tpu.memory_space<hbm>> -> memref<1x32x1x256xf32, #tpu.memory_space<hbm>>
        %dma_wait3A_59 = tpu.memref_squeeze %dma_wait3A_58 : memref<1x32x1x256xf32, #tpu.memory_space<hbm>> -> memref<32x256xf32, #tpu.memory_space<hbm>>
        tpu.wait_dma2 semaphore(%run_scoped3A : memref<!tpu.dma_semaphore, #tpu.memory_space<semaphore_mem>>) src(%dma_wait3A_59 : memref<32x256xf32, #tpu.memory_space<hbm>>) dst(%arg5 : memref<32x256xf32, #tpu.memory_space<vmem>>)
        tpu.yield
      }) : () -> ()
      "tpu.region"() ({
        %run_scoped3A = tpu.sem_alloc : memref<!tpu.dma_semaphore, #tpu.memory_space<semaphore_mem>>
        %dma_start3A = arith.constant 0 : i32
        %dma_start3A_46 = arith.constant 0 : i32
        %dma_start3A_47 = tpu.memref_slice %arg3[%select_n3A, %dma_start3A, %select_n3A_39, %dma_start3A_46] : memref<2x10x128x256xf32, #tpu.memory_space<hbm>> -> memref<1x10x1x256xf32, #tpu.memory_space<hbm>>
        %dma_start3A_48 = tpu.memref_squeeze %dma_start3A_47 : memref<1x10x1x256xf32, #tpu.memory_space<hbm>> -> memref<10x256xf32, #tpu.memory_space<hbm>>
        %dma_start3A_49 = arith.constant 0 : i32
        %dma_start3A_50 = arith.constant 0 : i32
        %dma_start3A_51 = tpu.memref_slice %arg3[%select_n3A, %dma_start3A_49, %select_n3A_39, %dma_start3A_50] : memref<2x10x128x256xf32, #tpu.memory_space<hbm>> -> memref<1x10x1x256xf32, #tpu.memory_space<hbm>>
        %dma_start3A_52 = tpu.memref_squeeze %dma_start3A_51 : memref<1x10x1x256xf32, #tpu.memory_space<hbm>> -> memref<10x256xf32, #tpu.memory_space<hbm>>
        tpu.enqueue_dma source(%dma_start3A_52 : memref<10x256xf32, #tpu.memory_space<hbm>>) target(%arg6 : memref<10x256xf32, #tpu.memory_space<vmem>>) target_semaphore(%run_scoped3A : memref<!tpu.dma_semaphore, #tpu.memory_space<semaphore_mem>>)
        %dma_wait3A = arith.constant 0 : i32
        %dma_wait3A_53 = arith.constant 0 : i32
        %dma_wait3A_54 = tpu.memref_slice %arg3[%select_n3A, %dma_wait3A, %select_n3A_39, %dma_wait3A_53] : memref<2x10x128x256xf32, #tpu.memory_space<hbm>> -> memref<1x10x1x256xf32, #tpu.memory_space<hbm>>
        %dma_wait3A_55 = tpu.memref_squeeze %dma_wait3A_54 : memref<1x10x1x256xf32, #tpu.memory_space<hbm>> -> memref<10x256xf32, #tpu.memory_space<hbm>>
        %dma_wait3A_56 = arith.constant 0 : i32
        %dma_wait3A_57 = arith.constant 0 : i32
        %dma_wait3A_58 = tpu.memref_slice %arg3[%select_n3A, %dma_wait3A_56, %select_n3A_39, %dma_wait3A_57] : memref<2x10x128x256xf32, #tpu.memory_space<hbm>> -> memref<1x10x1x256xf32, #tpu.memory_space<hbm>>
        %dma_wait3A_59 = tpu.memref_squeeze %dma_wait3A_58 : memref<1x10x1x256xf32, #tpu.memory_space<hbm>> -> memref<10x256xf32, #tpu.memory_space<hbm>>
        tpu.wait_dma2 semaphore(%run_scoped3A : memref<!tpu.dma_semaphore, #tpu.memory_space<semaphore_mem>>) src(%dma_wait3A_59 : memref<10x256xf32, #tpu.memory_space<hbm>>) dst(%arg6 : memref<10x256xf32, #tpu.memory_space<vmem>>)
        tpu.yield
      }) : () -> ()
      %scan3A_40 = arith.constant 0 : i32
      %scan3A_41 = arith.constant 0 : i32
      %scan3A_42 = arith.constant 10 : i32
      %scan3A_43 = arith.addi %scan3A_41, %scan3A_42 : i32
      %scan3A_44 = arith.constant 1 : i32
      scf.for %scan3A_46 = %scan3A_41 to %scan3A_43 step %scan3A_44  : i32 {
        %scan3A_47 = arith.constant 0 : i32
        %scan3A_48 = arith.constant 16 : i32
        %scan3A_49 = arith.addi %scan3A_47, %scan3A_48 : i32
        %scan3A_50 = arith.constant 1 : i32
        scf.for %scan3A_52 = %scan3A_47 to %scan3A_49 step %scan3A_50  : i32 {
          %mul3A_53 = arith.constant 16 : i32
          %mul3A_54 = arith.muli %scan3A_52, %mul3A_53 : i32
          %iota3A = tpu.iota {dimensions = array<i32: 0>} : vector<16xi32>
          %add3A_55 = vector.broadcast %mul3A_54 : i32 to vector<16xi32>
          %add3A_56 = arith.addi %iota3A, %add3A_55 : vector<16xi32>
          %convert_element_type3A = arith.sitofp %add3A_56 : vector<16xi32> to vector<16xf32>
          %get3A = arith.index_cast %scan3A_46 : i32 to index
          %get3A_57 = arith.index_cast %mul3A_54 : i32 to index
          %get3A_58 = tpu.vector_load %arg6[%get3A, %get3A_57] {strides = array<i32>} : memref<10x256xf32, #tpu.memory_space<vmem>>, vector<16xf32>,
          %sub3A_59 = arith.subf %convert_element_type3A, %get3A_58 : vector<16xf32>
          %jit3A_60 = arith.constant 0.000000e+00 : f32
          %jit3A_61 = arith.constant 2.550000e+02 : f32
          %max3A = vector.broadcast %jit3A_60 : f32 to vector<16xf32>
          %max3A_62 = arith.maximumf %max3A, %sub3A_59 : vector<16xf32>
          %min3A = vector.broadcast %jit3A_61 : f32 to vector<16xf32>
          %min3A_63 = arith.minimumf %min3A, %max3A_62 : vector<16xf32>
          %convert_element_type3A_64 = arith.fptosi %min3A_63 : vector<16xf32> to vector<16xi32>
          %broadcast_in_dim3A = arith.constant 0 : i32
          %broadcast_in_dim3A_65 = vector.broadcast %broadcast_in_dim3A : i32 to vector<16xi32>
          %gather3A = tpu.vector_load_idx %arg5[%broadcast_in_dim3A_65, %convert_element_type3A_64] : memref<32x256xf32, #tpu.memory_space<vmem>>[vector<16xi32>, vector<16xi32>], vector<16xf32>,
          %swap3A = arith.constant 0 : i32
          %swap3A_66 = arith.index_cast %swap3A : i32 to index
          %swap3A_67 = arith.index_cast %scan3A_46 : i32 to index
          %swap3A_68 = arith.index_cast %mul3A_54 : i32 to index
          %swap3A_69 = tpu.vector_load %arg7[%swap3A_66, %swap3A_67, %swap3A_68] {strides = array<i32>} : memref<32x10x256xf32, #tpu.memory_space<vmem>>, vector<16xf32>,
          tpu.vector_store %arg7[%swap3A_66, %swap3A_67, %swap3A_68], %gather3A {strides = array<i32>} : memref<32x10x256xf32, #tpu.memory_space<vmem>>, vector<16xf32>,
          %broadcast_in_dim3A_70 = arith.constant 1 : i32
          %broadcast_in_dim3A_71 = vector.broadcast %broadcast_in_dim3A_70 : i32 to vector<16xi32>
          %gather3A_72 = tpu.vector_load_idx %arg5[%broadcast_in_dim3A_71, %convert_element_type3A_64] : memref<32x256xf32, #tpu.memory_space<vmem>>[vector<16xi32>, vector<16xi32>], vector<16xf32>,
          %swap3A_73 = arith.constant 1 : i32
          %swap3A_74 = arith.index_cast %swap3A_73 : i32 to index
          %swap3A_75 = arith.index_cast %scan3A_46 : i32 to index
          %swap3A_76 = arith.index_cast %mul3A_54 : i32 to index
          %swap3A_77 = tpu.vector_load %arg7[%swap3A_74, %swap3A_75, %swap3A_76] {strides = array<i32>} : memref<32x10x256xf32, #tpu.memory_space<vmem>>, vector<16xf32>,
          tpu.vector_store %arg7[%swap3A_74, %swap3A_75, %swap3A_76], %gather3A_72 {strides = array<i32>} : memref<32x10x256xf32, #tpu.memory_space<vmem>>, vector<16xf32>,
          %broadcast_in_dim3A_78 = arith.constant 2 : i32
          %broadcast_in_dim3A_79 = vector.broadcast %broadcast_in_dim3A_78 : i32 to vector<16xi32>
          %gather3A_80 = tpu.vector_load_idx %arg5[%broadcast_in_dim3A_79, %convert_element_type3A_64] : memref<32x256xf32, #tpu.memory_space<vmem>>[vector<16xi32>, vector<16xi32>], vector<16xf32>,
          %swap3A_81 = arith.constant 2 : i32
          %swap3A_82 = arith.index_cast %swap3A_81 : i32 to index
          %swap3A_83 = arith.index_cast %scan3A_46 : i32 to index
          %swap3A_84 = arith.index_cast %mul3A_54 : i32 to index
          %swap3A_85 = tpu.vector_load %arg7[%swap3A_82, %swap3A_83, %swap3A_84] {strides = array<i32>} : memref<32x10x256xf32, #tpu.memory_space<vmem>>, vector<16xf32>,
          tpu.vector_store %arg7[%swap3A_82, %swap3A_83, %swap3A_84], %gather3A_80 {strides = array<i32>} : memref<32x10x256xf32, #tpu.memory_space<vmem>>, vector<16xf32>,
          %broadcast_in_dim3A_86 = arith.constant 3 : i32
          %broadcast_in_dim3A_87 = vector.broadcast %broadcast_in_dim3A_86 : i32 to vector<16xi32>
          %gather3A_88 = tpu.vector_load_idx %arg5[%broadcast_in_dim3A_87, %convert_element_type3A_64] : memref<32x256xf32, #tpu.memory_space<vmem>>[vector<16xi32>, vector<16xi32>], vector<16xf32>,
          %swap3A_89 = arith.constant 3 : i32
          %swap3A_90 = arith.index_cast %swap3A_89 : i32 to index
          %swap3A_91 = arith.index_cast %scan3A_46 : i32 to index
          %swap3A_92 = arith.index_cast %mul3A_54 : i32 to index
          %swap3A_93 = tpu.vector_load %arg7[%swap3A_90, %swap3A_91, %swap3A_92] {strides = array<i32>} : memref<32x10x256xf32, #tpu.memory_space<vmem>>, vector<16xf32>,
          tpu.vector_store %arg7[%swap3A_90, %swap3A_91, %swap3A_92], %gather3A_88 {strides = array<i32>} : memref<32x10x256xf32, #tpu.memory_space<vmem>>, vector<16xf32>,
          %broadcast_in_dim3A_94 = arith.constant 4 : i32
          %broadcast_in_dim3A_95 = vector.broadcast %broadcast_in_dim3A_94 : i32 to vector<16xi32>
          %gather3A_96 = tpu.vector_load_idx %arg5[%broadcast_in_dim3A_95, %convert_element_type3A_64] : memref<32x256xf32, #tpu.memory_space<vmem>>[vector<16xi32>, vector<16xi32>], vector<16xf32>,
          %swap3A_97 = arith.constant 4 : i32
          %swap3A_98 = arith.index_cast %swap3A_97 : i32 to index
          %swap3A_99 = arith.index_cast %scan3A_46 : i32 to index
          %swap3A_100 = arith.index_cast %mul3A_54 : i32 to index
          %swap3A_101 = tpu.vector_load %arg7[%swap3A_98, %swap3A_99, %swap3A_100] {strides = array<i32>} : memref<32x10x256xf32, #tpu.memory_space<vmem>>, vector<16xf32>,
          tpu.vector_store %arg7[%swap3A_98, %swap3A_99, %swap3A_100], %gather3A_96 {strides = array<i32>} : memref<32x10x256xf32, #tpu.memory_space<vmem>>, vector<16xf32>,
          %broadcast_in_dim3A_102 = arith.constant 5 : i32
          %broadcast_in_dim3A_103 = vector.broadcast %broadcast_in_dim3A_102 : i32 to vector<16xi32>
          %gather3A_104 = tpu.vector_load_idx %arg5[%broadcast_in_dim3A_103, %convert_element_type3A_64] : memref<32x256xf32, #tpu.memory_space<vmem>>[vector<16xi32>, vector<16xi32>], vector<16xf32>,
          %swap3A_105 = arith.constant 5 : i32
          %swap3A_106 = arith.index_cast %swap3A_105 : i32 to index
          %swap3A_107 = arith.index_cast %scan3A_46 : i32 to index
          %swap3A_108 = arith.index_cast %mul3A_54 : i32 to index
          %swap3A_109 = tpu.vector_load %arg7[%swap3A_106, %swap3A_107, %swap3A_108] {strides = array<i32>} : memref<32x10x256xf32, #tpu.memory_space<vmem>>, vector<16xf32>,
          tpu.vector_store %arg7[%swap3A_106, %swap3A_107, %swap3A_108], %gather3A_104 {strides = array<i32>} : memref<32x10x256xf32, #tpu.memory_space<vmem>>, vector<16xf32>,
          %broadcast_in_dim3A_110 = arith.constant 6 : i32
          %broadcast_in_dim3A_111 = vector.broadcast %broadcast_in_dim3A_110 : i32 to vector<16xi32>
          %gather3A_112 = tpu.vector_load_idx %arg5[%broadcast_in_dim3A_111, %convert_element_type3A_64] : memref<32x256xf32, #tpu.memory_space<vmem>>[vector<16xi32>, vector<16xi32>], vector<16xf32>,
          %swap3A_113 = arith.constant 6 : i32
          %swap3A_114 = arith.index_cast %swap3A_113 : i32 to index
          %swap3A_115 = arith.index_cast %scan3A_46 : i32 to index
          %swap3A_116 = arith.index_cast %mul3A_54 : i32 to index
          %swap3A_117 = tpu.vector_load %arg7[%swap3A_114, %swap3A_115, %swap3A_116] {strides = array<i32>} : memref<32x10x256xf32, #tpu.memory_space<vmem>>, vector<16xf32>,
          tpu.vector_store %arg7[%swap3A_114, %swap3A_115, %swap3A_116], %gather3A_112 {strides = array<i32>} : memref<32x10x256xf32, #tpu.memory_space<vmem>>, vector<16xf32>,
          %broadcast_in_dim3A_118 = arith.constant 7 : i32
          %broadcast_in_dim3A_119 = vector.broadcast %broadcast_in_dim3A_118 : i32 to vector<16xi32>
          %gather3A_120 = tpu.vector_load_idx %arg5[%broadcast_in_dim3A_119, %convert_element_type3A_64] : memref<32x256xf32, #tpu.memory_space<vmem>>[vector<16xi32>, vector<16xi32>], vector<16xf32>,
          %swap3A_121 = arith.constant 7 : i32
          %swap3A_122 = arith.index_cast %swap3A_121 : i32 to index
          %swap3A_123 = arith.index_cast %scan3A_46 : i32 to index
          %swap3A_124 = arith.index_cast %mul3A_54 : i32 to index
          %swap3A_125 = tpu.vector_load %arg7[%swap3A_122, %swap3A_123, %swap3A_124] {strides = array<i32>} : memref<32x10x256xf32, #tpu.memory_space<vmem>>, vector<16xf32>,
          tpu.vector_store %arg7[%swap3A_122, %swap3A_123, %swap3A_124], %gather3A_120 {strides = array<i32>} : memref<32x10x256xf32, #tpu.memory_space<vmem>>, vector<16xf32>,
          %broadcast_in_dim3A_126 = arith.constant 8 : i32
          %broadcast_in_dim3A_127 = vector.broadcast %broadcast_in_dim3A_126 : i32 to vector<16xi32>
          %gather3A_128 = tpu.vector_load_idx %arg5[%broadcast_in_dim3A_127, %convert_element_type3A_64] : memref<32x256xf32, #tpu.memory_space<vmem>>[vector<16xi32>, vector<16xi32>], vector<16xf32>,
          %swap3A_129 = arith.constant 8 : i32
          %swap3A_130 = arith.index_cast %swap3A_129 : i32 to index
          %swap3A_131 = arith.index_cast %scan3A_46 : i32 to index
          %swap3A_132 = arith.index_cast %mul3A_54 : i32 to index
          %swap3A_133 = tpu.vector_load %arg7[%swap3A_130, %swap3A_131, %swap3A_132] {strides = array<i32>} : memref<32x10x256xf32, #tpu.memory_space<vmem>>, vector<16xf32>,
          tpu.vector_store %arg7[%swap3A_130, %swap3A_131, %swap3A_132], %gather3A_128 {strides = array<i32>} : memref<32x10x256xf32, #tpu.memory_space<vmem>>, vector<16xf32>,
          %broadcast_in_dim3A_134 = arith.constant 9 : i32
          %broadcast_in_dim3A_135 = vector.broadcast %broadcast_in_dim3A_134 : i32 to vector<16xi32>
          %gather3A_136 = tpu.vector_load_idx %arg5[%broadcast_in_dim3A_135, %convert_element_type3A_64] : memref<32x256xf32, #tpu.memory_space<vmem>>[vector<16xi32>, vector<16xi32>], vector<16xf32>,
          %swap3A_137 = arith.constant 9 : i32
          %swap3A_138 = arith.index_cast %swap3A_137 : i32 to index
          %swap3A_139 = arith.index_cast %scan3A_46 : i32 to index
          %swap3A_140 = arith.index_cast %mul3A_54 : i32 to index
          %swap3A_141 = tpu.vector_load %arg7[%swap3A_138, %swap3A_139, %swap3A_140] {strides = array<i32>} : memref<32x10x256xf32, #tpu.memory_space<vmem>>, vector<16xf32>,
          tpu.vector_store %arg7[%swap3A_138, %swap3A_139, %swap3A_140], %gather3A_136 {strides = array<i32>} : memref<32x10x256xf32, #tpu.memory_space<vmem>>, vector<16xf32>,
          %broadcast_in_dim3A_142 = arith.constant 10 : i32
          %broadcast_in_dim3A_143 = vector.broadcast %broadcast_in_dim3A_142 : i32 to vector<16xi32>
          %gather3A_144 = tpu.vector_load_idx %arg5[%broadcast_in_dim3A_143, %convert_element_type3A_64] : memref<32x256xf32, #tpu.memory_space<vmem>>[vector<16xi32>, vector<16xi32>], vector<16xf32>,
          %swap3A_145 = arith.constant 10 : i32
          %swap3A_146 = arith.index_cast %swap3A_145 : i32 to index
          %swap3A_147 = arith.index_cast %scan3A_46 : i32 to index
          %swap3A_148 = arith.index_cast %mul3A_54 : i32 to index
          %swap3A_149 = tpu.vector_load %arg7[%swap3A_146, %swap3A_147, %swap3A_148] {strides = array<i32>} : memref<32x10x256xf32, #tpu.memory_space<vmem>>, vector<16xf32>,
          tpu.vector_store %arg7[%swap3A_146, %swap3A_147, %swap3A_148], %gather3A_144 {strides = array<i32>} : memref<32x10x256xf32, #tpu.memory_space<vmem>>, vector<16xf32>,
          %broadcast_in_dim3A_150 = arith.constant 11 : i32
          %broadcast_in_dim3A_151 = vector.broadcast %broadcast_in_dim3A_150 : i32 to vector<16xi32>
          %gather3A_152 = tpu.vector_load_idx %arg5[%broadcast_in_dim3A_151, %convert_element_type3A_64] : memref<32x256xf32, #tpu.memory_space<vmem>>[vector<16xi32>, vector<16xi32>], vector<16xf32>,
          %swap3A_153 = arith.constant 11 : i32
          %swap3A_154 = arith.index_cast %swap3A_153 : i32 to index
          %swap3A_155 = arith.index_cast %scan3A_46 : i32 to index
          %swap3A_156 = arith.index_cast %mul3A_54 : i32 to index
          %swap3A_157 = tpu.vector_load %arg7[%swap3A_154, %swap3A_155, %swap3A_156] {strides = array<i32>} : memref<32x10x256xf32, #tpu.memory_space<vmem>>, vector<16xf32>,
          tpu.vector_store %arg7[%swap3A_154, %swap3A_155, %swap3A_156], %gather3A_152 {strides = array<i32>} : memref<32x10x256xf32, #tpu.memory_space<vmem>>, vector<16xf32>,
          %broadcast_in_dim3A_158 = arith.constant 12 : i32
          %broadcast_in_dim3A_159 = vector.broadcast %broadcast_in_dim3A_158 : i32 to vector<16xi32>
          %gather3A_160 = tpu.vector_load_idx %arg5[%broadcast_in_dim3A_159, %convert_element_type3A_64] : memref<32x256xf32, #tpu.memory_space<vmem>>[vector<16xi32>, vector<16xi32>], vector<16xf32>,
          %swap3A_161 = arith.constant 12 : i32
          %swap3A_162 = arith.index_cast %swap3A_161 : i32 to index
          %swap3A_163 = arith.index_cast %scan3A_46 : i32 to index
          %swap3A_164 = arith.index_cast %mul3A_54 : i32 to index
          %swap3A_165 = tpu.vector_load %arg7[%swap3A_162, %swap3A_163, %swap3A_164] {strides = array<i32>} : memref<32x10x256xf32, #tpu.memory_space<vmem>>, vector<16xf32>,
          tpu.vector_store %arg7[%swap3A_162, %swap3A_163, %swap3A_164], %gather3A_160 {strides = array<i32>} : memref<32x10x256xf32, #tpu.memory_space<vmem>>, vector<16xf32>,
          %broadcast_in_dim3A_166 = arith.constant 13 : i32
          %broadcast_in_dim3A_167 = vector.broadcast %broadcast_in_dim3A_166 : i32 to vector<16xi32>
          %gather3A_168 = tpu.vector_load_idx %arg5[%broadcast_in_dim3A_167, %convert_element_type3A_64] : memref<32x256xf32, #tpu.memory_space<vmem>>[vector<16xi32>, vector<16xi32>], vector<16xf32>,
          %swap3A_169 = arith.constant 13 : i32
          %swap3A_170 = arith.index_cast %swap3A_169 : i32 to index
          %swap3A_171 = arith.index_cast %scan3A_46 : i32 to index
          %swap3A_172 = arith.index_cast %mul3A_54 : i32 to index
          %swap3A_173 = tpu.vector_load %arg7[%swap3A_170, %swap3A_171, %swap3A_172] {strides = array<i32>} : memref<32x10x256xf32, #tpu.memory_space<vmem>>, vector<16xf32>,
          tpu.vector_store %arg7[%swap3A_170, %swap3A_171, %swap3A_172], %gather3A_168 {strides = array<i32>} : memref<32x10x256xf32, #tpu.memory_space<vmem>>, vector<16xf32>,
          %broadcast_in_dim3A_174 = arith.constant 14 : i32
          %broadcast_in_dim3A_175 = vector.broadcast %broadcast_in_dim3A_174 : i32 to vector<16xi32>
          %gather3A_176 = tpu.vector_load_idx %arg5[%broadcast_in_dim3A_175, %convert_element_type3A_64] : memref<32x256xf32, #tpu.memory_space<vmem>>[vector<16xi32>, vector<16xi32>], vector<16xf32>,
          %swap3A_177 = arith.constant 14 : i32
          %swap3A_178 = arith.index_cast %swap3A_177 : i32 to index
          %swap3A_179 = arith.index_cast %scan3A_46 : i32 to index
          %swap3A_180 = arith.index_cast %mul3A_54 : i32 to index
          %swap3A_181 = tpu.vector_load %arg7[%swap3A_178, %swap3A_179, %swap3A_180] {strides = array<i32>} : memref<32x10x256xf32, #tpu.memory_space<vmem>>, vector<16xf32>,
          tpu.vector_store %arg7[%swap3A_178, %swap3A_179, %swap3A_180], %gather3A_176 {strides = array<i32>} : memref<32x10x256xf32, #tpu.memory_space<vmem>>, vector<16xf32>,
          %broadcast_in_dim3A_182 = arith.constant 15 : i32
          %broadcast_in_dim3A_183 = vector.broadcast %broadcast_in_dim3A_182 : i32 to vector<16xi32>
          %gather3A_184 = tpu.vector_load_idx %arg5[%broadcast_in_dim3A_183, %convert_element_type3A_64] : memref<32x256xf32, #tpu.memory_space<vmem>>[vector<16xi32>, vector<16xi32>], vector<16xf32>,
          %swap3A_185 = arith.constant 15 : i32
          %swap3A_186 = arith.index_cast %swap3A_185 : i32 to index
          %swap3A_187 = arith.index_cast %scan3A_46 : i32 to index
          %swap3A_188 = arith.index_cast %mul3A_54 : i32 to index
          %swap3A_189 = tpu.vector_load %arg7[%swap3A_186, %swap3A_187, %swap3A_188] {strides = array<i32>} : memref<32x10x256xf32, #tpu.memory_space<vmem>>, vector<16xf32>,
          tpu.vector_store %arg7[%swap3A_186, %swap3A_187, %swap3A_188], %gather3A_184 {strides = array<i32>} : memref<32x10x256xf32, #tpu.memory_space<vmem>>, vector<16xf32>,
          %broadcast_in_dim3A_190 = arith.constant 16 : i32
          %broadcast_in_dim3A_191 = vector.broadcast %broadcast_in_dim3A_190 : i32 to vector<16xi32>
          %gather3A_192 = tpu.vector_load_idx %arg5[%broadcast_in_dim3A_191, %convert_element_type3A_64] : memref<32x256xf32, #tpu.memory_space<vmem>>[vector<16xi32>, vector<16xi32>], vector<16xf32>,
          %swap3A_193 = arith.constant 16 : i32
          %swap3A_194 = arith.index_cast %swap3A_193 : i32 to index
          %swap3A_195 = arith.index_cast %scan3A_46 : i32 to index
          %swap3A_196 = arith.index_cast %mul3A_54 : i32 to index
          %swap3A_197 = tpu.vector_load %arg7[%swap3A_194, %swap3A_195, %swap3A_196] {strides = array<i32>} : memref<32x10x256xf32, #tpu.memory_space<vmem>>, vector<16xf32>,
          tpu.vector_store %arg7[%swap3A_194, %swap3A_195, %swap3A_196], %gather3A_192 {strides = array<i32>} : memref<32x10x256xf32, #tpu.memory_space<vmem>>, vector<16xf32>,
          %broadcast_in_dim3A_198 = arith.constant 17 : i32
          %broadcast_in_dim3A_199 = vector.broadcast %broadcast_in_dim3A_198 : i32 to vector<16xi32>
          %gather3A_200 = tpu.vector_load_idx %arg5[%broadcast_in_dim3A_199, %convert_element_type3A_64] : memref<32x256xf32, #tpu.memory_space<vmem>>[vector<16xi32>, vector<16xi32>], vector<16xf32>,
          %swap3A_201 = arith.constant 17 : i32
          %swap3A_202 = arith.index_cast %swap3A_201 : i32 to index
          %swap3A_203 = arith.index_cast %scan3A_46 : i32 to index
          %swap3A_204 = arith.index_cast %mul3A_54 : i32 to index
          %swap3A_205 = tpu.vector_load %arg7[%swap3A_202, %swap3A_203, %swap3A_204] {strides = array<i32>} : memref<32x10x256xf32, #tpu.memory_space<vmem>>, vector<16xf32>,
          tpu.vector_store %arg7[%swap3A_202, %swap3A_203, %swap3A_204], %gather3A_200 {strides = array<i32>} : memref<32x10x256xf32, #tpu.memory_space<vmem>>, vector<16xf32>,
          %broadcast_in_dim3A_206 = arith.constant 18 : i32
          %broadcast_in_dim3A_207 = vector.broadcast %broadcast_in_dim3A_206 : i32 to vector<16xi32>
          %gather3A_208 = tpu.vector_load_idx %arg5[%broadcast_in_dim3A_207, %convert_element_type3A_64] : memref<32x256xf32, #tpu.memory_space<vmem>>[vector<16xi32>, vector<16xi32>], vector<16xf32>,
          %swap3A_209 = arith.constant 18 : i32
          %swap3A_210 = arith.index_cast %swap3A_209 : i32 to index
          %swap3A_211 = arith.index_cast %scan3A_46 : i32 to index
          %swap3A_212 = arith.index_cast %mul3A_54 : i32 to index
          %swap3A_213 = tpu.vector_load %arg7[%swap3A_210, %swap3A_211, %swap3A_212] {strides = array<i32>} : memref<32x10x256xf32, #tpu.memory_space<vmem>>, vector<16xf32>,
          tpu.vector_store %arg7[%swap3A_210, %swap3A_211, %swap3A_212], %gather3A_208 {strides = array<i32>} : memref<32x10x256xf32, #tpu.memory_space<vmem>>, vector<16xf32>,
          %broadcast_in_dim3A_214 = arith.constant 19 : i32
          %broadcast_in_dim3A_215 = vector.broadcast %broadcast_in_dim3A_214 : i32 to vector<16xi32>
          %gather3A_216 = tpu.vector_load_idx %arg5[%broadcast_in_dim3A_215, %convert_element_type3A_64] : memref<32x256xf32, #tpu.memory_space<vmem>>[vector<16xi32>, vector<16xi32>], vector<16xf32>,
          %swap3A_217 = arith.constant 19 : i32
          %swap3A_218 = arith.index_cast %swap3A_217 : i32 to index
          %swap3A_219 = arith.index_cast %scan3A_46 : i32 to index
          %swap3A_220 = arith.index_cast %mul3A_54 : i32 to index
          %swap3A_221 = tpu.vector_load %arg7[%swap3A_218, %swap3A_219, %swap3A_220] {strides = array<i32>} : memref<32x10x256xf32, #tpu.memory_space<vmem>>, vector<16xf32>,
          tpu.vector_store %arg7[%swap3A_218, %swap3A_219, %swap3A_220], %gather3A_216 {strides = array<i32>} : memref<32x10x256xf32, #tpu.memory_space<vmem>>, vector<16xf32>,
          %broadcast_in_dim3A_222 = arith.constant 20 : i32
          %broadcast_in_dim3A_223 = vector.broadcast %broadcast_in_dim3A_222 : i32 to vector<16xi32>
          %gather3A_224 = tpu.vector_load_idx %arg5[%broadcast_in_dim3A_223, %convert_element_type3A_64] : memref<32x256xf32, #tpu.memory_space<vmem>>[vector<16xi32>, vector<16xi32>], vector<16xf32>,
          %swap3A_225 = arith.constant 20 : i32
          %swap3A_226 = arith.index_cast %swap3A_225 : i32 to index
          %swap3A_227 = arith.index_cast %scan3A_46 : i32 to index
          %swap3A_228 = arith.index_cast %mul3A_54 : i32 to index
          %swap3A_229 = tpu.vector_load %arg7[%swap3A_226, %swap3A_227, %swap3A_228] {strides = array<i32>} : memref<32x10x256xf32, #tpu.memory_space<vmem>>, vector<16xf32>,
          tpu.vector_store %arg7[%swap3A_226, %swap3A_227, %swap3A_228], %gather3A_224 {strides = array<i32>} : memref<32x10x256xf32, #tpu.memory_space<vmem>>, vector<16xf32>,
          %broadcast_in_dim3A_230 = arith.constant 21 : i32
          %broadcast_in_dim3A_231 = vector.broadcast %broadcast_in_dim3A_230 : i32 to vector<16xi32>
          %gather3A_232 = tpu.vector_load_idx %arg5[%broadcast_in_dim3A_231, %convert_element_type3A_64] : memref<32x256xf32, #tpu.memory_space<vmem>>[vector<16xi32>, vector<16xi32>], vector<16xf32>,
          %swap3A_233 = arith.constant 21 : i32
          %swap3A_234 = arith.index_cast %swap3A_233 : i32 to index
          %swap3A_235 = arith.index_cast %scan3A_46 : i32 to index
          %swap3A_236 = arith.index_cast %mul3A_54 : i32 to index
          %swap3A_237 = tpu.vector_load %arg7[%swap3A_234, %swap3A_235, %swap3A_236] {strides = array<i32>} : memref<32x10x256xf32, #tpu.memory_space<vmem>>, vector<16xf32>,
          tpu.vector_store %arg7[%swap3A_234, %swap3A_235, %swap3A_236], %gather3A_232 {strides = array<i32>} : memref<32x10x256xf32, #tpu.memory_space<vmem>>, vector<16xf32>,
          %broadcast_in_dim3A_238 = arith.constant 22 : i32
          %broadcast_in_dim3A_239 = vector.broadcast %broadcast_in_dim3A_238 : i32 to vector<16xi32>
          %gather3A_240 = tpu.vector_load_idx %arg5[%broadcast_in_dim3A_239, %convert_element_type3A_64] : memref<32x256xf32, #tpu.memory_space<vmem>>[vector<16xi32>, vector<16xi32>], vector<16xf32>,
          %swap3A_241 = arith.constant 22 : i32
          %swap3A_242 = arith.index_cast %swap3A_241 : i32 to index
          %swap3A_243 = arith.index_cast %scan3A_46 : i32 to index
          %swap3A_244 = arith.index_cast %mul3A_54 : i32 to index
          %swap3A_245 = tpu.vector_load %arg7[%swap3A_242, %swap3A_243, %swap3A_244] {strides = array<i32>} : memref<32x10x256xf32, #tpu.memory_space<vmem>>, vector<16xf32>,
          tpu.vector_store %arg7[%swap3A_242, %swap3A_243, %swap3A_244], %gather3A_240 {strides = array<i32>} : memref<32x10x256xf32, #tpu.memory_space<vmem>>, vector<16xf32>,
          %broadcast_in_dim3A_246 = arith.constant 23 : i32
          %broadcast_in_dim3A_247 = vector.broadcast %broadcast_in_dim3A_246 : i32 to vector<16xi32>
          %gather3A_248 = tpu.vector_load_idx %arg5[%broadcast_in_dim3A_247, %convert_element_type3A_64] : memref<32x256xf32, #tpu.memory_space<vmem>>[vector<16xi32>, vector<16xi32>], vector<16xf32>,
          %swap3A_249 = arith.constant 23 : i32
          %swap3A_250 = arith.index_cast %swap3A_249 : i32 to index
          %swap3A_251 = arith.index_cast %scan3A_46 : i32 to index
          %swap3A_252 = arith.index_cast %mul3A_54 : i32 to index
          %swap3A_253 = tpu.vector_load %arg7[%swap3A_250, %swap3A_251, %swap3A_252] {strides = array<i32>} : memref<32x10x256xf32, #tpu.memory_space<vmem>>, vector<16xf32>,
          tpu.vector_store %arg7[%swap3A_250, %swap3A_251, %swap3A_252], %gather3A_248 {strides = array<i32>} : memref<32x10x256xf32, #tpu.memory_space<vmem>>, vector<16xf32>,
          %broadcast_in_dim3A_254 = arith.constant 24 : i32
          %broadcast_in_dim3A_255 = vector.broadcast %broadcast_in_dim3A_254 : i32 to vector<16xi32>
          %gather3A_256 = tpu.vector_load_idx %arg5[%broadcast_in_dim3A_255, %convert_element_type3A_64] : memref<32x256xf32, #tpu.memory_space<vmem>>[vector<16xi32>, vector<16xi32>], vector<16xf32>,
          %swap3A_257 = arith.constant 24 : i32
          %swap3A_258 = arith.index_cast %swap3A_257 : i32 to index
          %swap3A_259 = arith.index_cast %scan3A_46 : i32 to index
          %swap3A_260 = arith.index_cast %mul3A_54 : i32 to index
          %swap3A_261 = tpu.vector_load %arg7[%swap3A_258, %swap3A_259, %swap3A_260] {strides = array<i32>} : memref<32x10x256xf32, #tpu.memory_space<vmem>>, vector<16xf32>,
          tpu.vector_store %arg7[%swap3A_258, %swap3A_259, %swap3A_260], %gather3A_256 {strides = array<i32>} : memref<32x10x256xf32, #tpu.memory_space<vmem>>, vector<16xf32>,
          %broadcast_in_dim3A_262 = arith.constant 25 : i32
          %broadcast_in_dim3A_263 = vector.broadcast %broadcast_in_dim3A_262 : i32 to vector<16xi32>
          %gather3A_264 = tpu.vector_load_idx %arg5[%broadcast_in_dim3A_263, %convert_element_type3A_64] : memref<32x256xf32, #tpu.memory_space<vmem>>[vector<16xi32>, vector<16xi32>], vector<16xf32>,
          %swap3A_265 = arith.constant 25 : i32
          %swap3A_266 = arith.index_cast %swap3A_265 : i32 to index
          %swap3A_267 = arith.index_cast %scan3A_46 : i32 to index
          %swap3A_268 = arith.index_cast %mul3A_54 : i32 to index
          %swap3A_269 = tpu.vector_load %arg7[%swap3A_266, %swap3A_267, %swap3A_268] {strides = array<i32>} : memref<32x10x256xf32, #tpu.memory_space<vmem>>, vector<16xf32>,
          tpu.vector_store %arg7[%swap3A_266, %swap3A_267, %swap3A_268], %gather3A_264 {strides = array<i32>} : memref<32x10x256xf32, #tpu.memory_space<vmem>>, vector<16xf32>,
          %broadcast_in_dim3A_270 = arith.constant 26 : i32
          %broadcast_in_dim3A_271 = vector.broadcast %broadcast_in_dim3A_270 : i32 to vector<16xi32>
          %gather3A_272 = tpu.vector_load_idx %arg5[%broadcast_in_dim3A_271, %convert_element_type3A_64] : memref<32x256xf32, #tpu.memory_space<vmem>>[vector<16xi32>, vector<16xi32>], vector<16xf32>,
          %swap3A_273 = arith.constant 26 : i32
          %swap3A_274 = arith.index_cast %swap3A_273 : i32 to index
          %swap3A_275 = arith.index_cast %scan3A_46 : i32 to index
          %swap3A_276 = arith.index_cast %mul3A_54 : i32 to index
          %swap3A_277 = tpu.vector_load %arg7[%swap3A_274, %swap3A_275, %swap3A_276] {strides = array<i32>} : memref<32x10x256xf32, #tpu.memory_space<vmem>>, vector<16xf32>,
          tpu.vector_store %arg7[%swap3A_274, %swap3A_275, %swap3A_276], %gather3A_272 {strides = array<i32>} : memref<32x10x256xf32, #tpu.memory_space<vmem>>, vector<16xf32>,
          %broadcast_in_dim3A_278 = arith.constant 27 : i32
          %broadcast_in_dim3A_279 = vector.broadcast %broadcast_in_dim3A_278 : i32 to vector<16xi32>
          %gather3A_280 = tpu.vector_load_idx %arg5[%broadcast_in_dim3A_279, %convert_element_type3A_64] : memref<32x256xf32, #tpu.memory_space<vmem>>[vector<16xi32>, vector<16xi32>], vector<16xf32>,
          %swap3A_281 = arith.constant 27 : i32
          %swap3A_282 = arith.index_cast %swap3A_281 : i32 to index
          %swap3A_283 = arith.index_cast %scan3A_46 : i32 to index
          %swap3A_284 = arith.index_cast %mul3A_54 : i32 to index
          %swap3A_285 = tpu.vector_load %arg7[%swap3A_282, %swap3A_283, %swap3A_284] {strides = array<i32>} : memref<32x10x256xf32, #tpu.memory_space<vmem>>, vector<16xf32>,
          tpu.vector_store %arg7[%swap3A_282, %swap3A_283, %swap3A_284], %gather3A_280 {strides = array<i32>} : memref<32x10x256xf32, #tpu.memory_space<vmem>>, vector<16xf32>,
          %broadcast_in_dim3A_286 = arith.constant 28 : i32
          %broadcast_in_dim3A_287 = vector.broadcast %broadcast_in_dim3A_286 : i32 to vector<16xi32>
          %gather3A_288 = tpu.vector_load_idx %arg5[%broadcast_in_dim3A_287, %convert_element_type3A_64] : memref<32x256xf32, #tpu.memory_space<vmem>>[vector<16xi32>, vector<16xi32>], vector<16xf32>,
          %swap3A_289 = arith.constant 28 : i32
          %swap3A_290 = arith.index_cast %swap3A_289 : i32 to index
          %swap3A_291 = arith.index_cast %scan3A_46 : i32 to index
          %swap3A_292 = arith.index_cast %mul3A_54 : i32 to index
          %swap3A_293 = tpu.vector_load %arg7[%swap3A_290, %swap3A_291, %swap3A_292] {strides = array<i32>} : memref<32x10x256xf32, #tpu.memory_space<vmem>>, vector<16xf32>,
          tpu.vector_store %arg7[%swap3A_290, %swap3A_291, %swap3A_292], %gather3A_288 {strides = array<i32>} : memref<32x10x256xf32, #tpu.memory_space<vmem>>, vector<16xf32>,
          %broadcast_in_dim3A_294 = arith.constant 29 : i32
          %broadcast_in_dim3A_295 = vector.broadcast %broadcast_in_dim3A_294 : i32 to vector<16xi32>
          %gather3A_296 = tpu.vector_load_idx %arg5[%broadcast_in_dim3A_295, %convert_element_type3A_64] : memref<32x256xf32, #tpu.memory_space<vmem>>[vector<16xi32>, vector<16xi32>], vector<16xf32>,
          %swap3A_297 = arith.constant 29 : i32
          %swap3A_298 = arith.index_cast %swap3A_297 : i32 to index
          %swap3A_299 = arith.index_cast %scan3A_46 : i32 to index
          %swap3A_300 = arith.index_cast %mul3A_54 : i32 to index
          %swap3A_301 = tpu.vector_load %arg7[%swap3A_298, %swap3A_299, %swap3A_300] {strides = array<i32>} : memref<32x10x256xf32, #tpu.memory_space<vmem>>, vector<16xf32>,
          tpu.vector_store %arg7[%swap3A_298, %swap3A_299, %swap3A_300], %gather3A_296 {strides = array<i32>} : memref<32x10x256xf32, #tpu.memory_space<vmem>>, vector<16xf32>,
          %broadcast_in_dim3A_302 = arith.constant 30 : i32
          %broadcast_in_dim3A_303 = vector.broadcast %broadcast_in_dim3A_302 : i32 to vector<16xi32>
          %gather3A_304 = tpu.vector_load_idx %arg5[%broadcast_in_dim3A_303, %convert_element_type3A_64] : memref<32x256xf32, #tpu.memory_space<vmem>>[vector<16xi32>, vector<16xi32>], vector<16xf32>,
          %swap3A_305 = arith.constant 30 : i32
          %swap3A_306 = arith.index_cast %swap3A_305 : i32 to index
          %swap3A_307 = arith.index_cast %scan3A_46 : i32 to index
          %swap3A_308 = arith.index_cast %mul3A_54 : i32 to index
          %swap3A_309 = tpu.vector_load %arg7[%swap3A_306, %swap3A_307, %swap3A_308] {strides = array<i32>} : memref<32x10x256xf32, #tpu.memory_space<vmem>>, vector<16xf32>,
          tpu.vector_store %arg7[%swap3A_306, %swap3A_307, %swap3A_308], %gather3A_304 {strides = array<i32>} : memref<32x10x256xf32, #tpu.memory_space<vmem>>, vector<16xf32>,
          %broadcast_in_dim3A_310 = arith.constant 31 : i32
          %broadcast_in_dim3A_311 = vector.broadcast %broadcast_in_dim3A_310 : i32 to vector<16xi32>
          %gather3A_312 = tpu.vector_load_idx %arg5[%broadcast_in_dim3A_311, %convert_element_type3A_64] : memref<32x256xf32, #tpu.memory_space<vmem>>[vector<16xi32>, vector<16xi32>], vector<16xf32>,
          %swap3A_313 = arith.constant 31 : i32
          %swap3A_314 = arith.index_cast %swap3A_313 : i32 to index
          %swap3A_315 = arith.index_cast %scan3A_46 : i32 to index
          %swap3A_316 = arith.index_cast %mul3A_54 : i32 to index
          %swap3A_317 = tpu.vector_load %arg7[%swap3A_314, %swap3A_315, %swap3A_316] {strides = array<i32>} : memref<32x10x256xf32, #tpu.memory_space<vmem>>, vector<16xf32>,
          tpu.vector_store %arg7[%swap3A_314, %swap3A_315, %swap3A_316], %gather3A_312 {strides = array<i32>} : memref<32x10x256xf32, #tpu.memory_space<vmem>>, vector<16xf32>,
        }
        %scan3A_51 = arith.constant 16 : i32
      }
      %scan3A_45 = arith.constant 10 : i32
      "tpu.region"() ({
        %run_scoped3A = tpu.sem_alloc : memref<!tpu.dma_semaphore, #tpu.memory_space<semaphore_mem>>
        %dma_start3A = arith.constant 0 : i32
        %dma_start3A_46 = arith.constant 0 : i32
        %dma_start3A_47 = arith.constant 0 : i32
        %dma_start3A_48 = tpu.memref_slice %arg4[%select_n3A, %dma_start3A, %dma_start3A_46, %select_n3A_39, %dma_start3A_47] : memref<2x32x10x128x256xf32, #tpu.memory_space<hbm>> -> memref<1x32x10x1x256xf32, #tpu.memory_space<hbm>>
        %dma_start3A_49 = tpu.memref_squeeze %dma_start3A_48 : memref<1x32x10x1x256xf32, #tpu.memory_space<hbm>> -> memref<32x10x256xf32, #tpu.memory_space<hbm>>
        %dma_start3A_50 = arith.constant 0 : i32
        %dma_start3A_51 = arith.constant 0 : i32
        %dma_start3A_52 = arith.constant 0 : i32
        %dma_start3A_53 = tpu.memref_slice %arg4[%select_n3A, %dma_start3A_50, %dma_start3A_51, %select_n3A_39, %dma_start3A_52] : memref<2x32x10x128x256xf32, #tpu.memory_space<hbm>> -> memref<1x32x10x1x256xf32, #tpu.memory_space<hbm>>
        %dma_start3A_54 = tpu.memref_squeeze %dma_start3A_53 : memref<1x32x10x1x256xf32, #tpu.memory_space<hbm>> -> memref<32x10x256xf32, #tpu.memory_space<hbm>>
        tpu.enqueue_dma source(%arg7 : memref<32x10x256xf32, #tpu.memory_space<vmem>>) target(%dma_start3A_54 : memref<32x10x256xf32, #tpu.memory_space<hbm>>) target_semaphore(%run_scoped3A : memref<!tpu.dma_semaphore, #tpu.memory_space<semaphore_mem>>)
        %dma_wait3A = arith.constant 0 : i32
        %dma_wait3A_55 = arith.constant 0 : i32
        %dma_wait3A_56 = arith.constant 0 : i32
        %dma_wait3A_57 = tpu.memref_slice %arg4[%select_n3A, %dma_wait3A, %dma_wait3A_55, %select_n3A_39, %dma_wait3A_56] : memref<2x32x10x128x256xf32, #tpu.memory_space<hbm>> -> memref<1x32x10x1x256xf32, #tpu.memory_space<hbm>>
        %dma_wait3A_58 = tpu.memref_squeeze %dma_wait3A_57 : memref<1x32x10x1x256xf32, #tpu.memory_space<hbm>> -> memref<32x10x256xf32, #tpu.memory_space<hbm>>
        %dma_wait3A_59 = arith.constant 0 : i32
        %dma_wait3A_60 = arith.constant 0 : i32
        %dma_wait3A_61 = arith.constant 0 : i32
        %dma_wait3A_62 = tpu.memref_slice %arg4[%select_n3A, %dma_wait3A_59, %dma_wait3A_60, %select_n3A_39, %dma_wait3A_61] : memref<2x32x10x128x256xf32, #tpu.memory_space<hbm>> -> memref<1x32x10x1x256xf32, #tpu.memory_space<hbm>>
        %dma_wait3A_63 = tpu.memref_squeeze %dma_wait3A_62 : memref<1x32x10x1x256xf32, #tpu.memory_space<hbm>> -> memref<32x10x256xf32, #tpu.memory_space<hbm>>
        tpu.wait_dma2 semaphore(%run_scoped3A : memref<!tpu.dma_semaphore, #tpu.memory_space<semaphore_mem>>) src(%arg7 : memref<32x10x256xf32, #tpu.memory_space<vmem>>) dst(%dma_wait3A_63 : memref<32x10x256xf32, #tpu.memory_space<hbm>>)
        tpu.yield
      }) : () -> ()
    }
    %scan3A_5 = arith.constant 8 : i32
    return
  }
}

</mosaic_0001>

<sc_bundles>
// kernel: kernel.3.cloned.1.call-start
scs
__scs_entry_jumppad:
0x0: {  	(pc) =	sbr.rel $0x88, $3  }
0x1: {  	(tag) =	ssettag $0x0;
	lr =	simm.s32 $0x1  }
0x2: {  	[smem:$0x3F9F] =	sst lr;
	_ =	strace $0xD0000000  }
0x3: {  	_ = 	snop  }
0x4: {  	_ = 	snop  }
0x5: {  	_ = 	snop  }
0x6: {  	_ = 	snop  }
0x7: {  	_ = 	snop  }
__scs_overlays_trampoline_lowered:
0x8: {  	[smem:$0x3FAE] =	sst s0  }
0x9: {  	[smem:$0x3FAF] =	sst s1  }
0xa: {  	[smem:$0x3FB0] =	sst s2  }
0xb: {  	[smem:$0x3FB1] =	sst s3  }
0xc: {  	[smem:$0x3FB2] =	sst s4  }
0xd: {  	[smem:$0x3FB3] =	sst s5  }
0xe: {  	[smem:$0x3FB4] =	sst s6  }
0xf: {  	[smem:$0x3FB5] =	sst s7  }
0x10: {  	[smem:$0x3FB6] =	sst s8  }
0x11: {  	[smem:$0x3FB7] =	sst s9;
	s0 =	simm.s32 @!p0 $0x0  }
0x12: {  	s1 =	sld [smem:$0x3F9D];
	s0 =	simm.s32 @p0 $0x1  }
0x13: {  	[smem:$0x3FB8] =	sst s0;
	s0 =	simm.s32 @!p1 $0x0  }
0x14: {  	s2 =	sld [smem:$0x3F9C];
	s0 =	simm.s32 @p1 $0x1  }
0x15: {  	[smem:$0x3FB9] =	sst s0;
	s0 =	simm.s32 @!p2 $0x0  }
0x16: {  	s3 =	sld [smem:$0x3FDB];
	s0 =	simm.s32 @p2 $0x1  }
0x17: {  	s4 =	simm.s32 $0x1BF5;
	[smem:$0x3FBB] =	sst s0  }
0x18: {  	s0 =	sld [smem:$0x3F9E];
	_ =	swait.ge [sflag:s4], $0x0  }
0x19: {  	s7 =	sld [smem:$0x3F9F]  }
0x1a: {  	s8 =	sadd.s32 $0xFFFFE003, lr  }
0x1b: {  	s9 =	sadd.s32 $0xFFFFFEF7, lr;
	s5 =	simm.s32 $0xFFFFFFFF;
	p2 =	slt.u32 s8, $0xFFFFF086  }
0x1c: {  	p1 =	slt.u32 s9, $0xF7A;
	s5 =	simm.s32 @!p2 $0x0  }
0x1d: {  	s5 =	simm.s32 @p1 $0x1;
	p0 =	seq.s32 s7, s2  }
0x1e: {  	s7 =	smul.u32 @!p0 $0xF7A, s2;
	p2 =	seq.s32 @!p0 s5, $0x0  }
0x1f: {  	s9 =	smul.u32 $0xF7A, s1;
	s8 =	simm.s32 @!p0 $0x1BF5;
	p2 =	por !p2, p0  }
0x20: {  	[sflag:s8] =	ssyncset.s32 @!p0 $0xFFFFF086;
	s6 =	sadd.s32 @!p0 s3, s7;
	s7 =	simm.s32 @!p0 $0x108  }
0x21: {  	s3 =	sadd.s32 s3, s9;
	s6 =	sadd.s32 @!p0 $0x88, s6;
	s7 =	simm.s32 @p2 $0x1082  }
0x22: {  	[simem:s7], [sflag:s8] =	dma.local @!p0 [hbm:s6], $0xF7A  }
0x23: {  	s9 =	sor.u32 $0xD0000000, s2;
	s6 =	simm.s32 $0x108;
	_ =	swait.ge @!p0 [sflag:s8], $0x0  }
0x24: {  	s3 =	sadd.s32 $0x88, s3;
	s6 =	simm.s32 @!p1 $0x1082;
	[sflag:s4] =	ssyncset.s32 $0xFFFFF086  }
0x25: {  	[simem:s6], [sflag:s4] =	dma.local [hbm:s3], $0xF7A  }
0x26: {  	[smem:$0x3F9F] =	sst s1;
	(tag) =	ssettag s2;
	_ =	strace s9  }
0x27: {  	s1 =	sld [smem:$0x3FAF]  }
0x28: {  	s2 =	sld [smem:$0x3FB0]  }
0x29: {  	s4 =	sld [smem:$0x3FB2]  }
0x2a: {  	p0 =	seq.s32 s5, $0x0;
	s5 =	sld [smem:$0x3FB3]  }
0x2b: {  	s6 =	sld [smem:$0x3FB4]  }
0x2c: {  	s7 =	sld [smem:$0x3FB5]  }
0x2d: {  	s3 =	simm.s32 $0x108;
	s8 =	sld [smem:$0x3FB6]  }
0x2e: {  	s3 =	simm.s32 @!p0 $0x1082;
	s9 =	sld [smem:$0x3FB7]  }
0x2f: {  	lr =	sadd.s32 s0, s3;
	s0 =	sld [smem:$0x3FAE]  }
0x30: {  	s3 =	sld [smem:$0x3FB1]  }
0x31: {  	[smem:$0x3FBA] =	sst s10  }
0x32: {  	s10 =	sld [smem:$0x3FB8];
	_ =	sdelay $0x3  }
0x33: {  	p0 =	seq.s32 s10, $0x1;
	s10 =	sld [smem:$0x3FBA];
	_ =	sdelay $0x3  }
0x34: {  	[smem:$0x3FBA] =	sst s10  }
0x35: {  	s10 =	sld [smem:$0x3FB9];
	_ =	sdelay $0x3  }
0x36: {  	p1 =	seq.s32 s10, $0x1;
	s10 =	sld [smem:$0x3FBA];
	_ =	sdelay $0x3  }
0x37: {  	[smem:$0x3FBA] =	sst s10  }
0x38: {  	s10 =	sld [smem:$0x3FBB]  }
0x39: {  	_ = 	snop;
	(pc) =	sbr.ind lr, $3  }
0x3a: {  	_ = 	snop  }
0x3b: {  	_ = 	snop  }
0x3c: {  	p2 =	seq.s32 s10, $0x1;
	s10 =	sld [smem:$0x3FBA]  }
0x3d: {  	_ =	shalt  }
0x3e: {  	_ =	shalt  }
0x3f: {  	_ =	shalt  }
0x40: {  	_ =	shalt  }
0x41: {  	_ =	shalt  }
0x42: {  	_ =	shalt  }
0x43: {  	_ =	shalt  }
0x44: {  	_ =	shalt  }
0x45: {  	_ =	shalt  }
0x46: {  	_ =	shalt  }
0x47: {  	_ =	shalt  }
0x48: {  	_ =	shalt  }
0x49: {  	_ =	shalt  }
0x4a: {  	_ =	shalt  }
0x4b: {  	_ =	shalt  }
0x4c: {  	_ =	shalt  }
0x4d: {  	_ =	shalt  }
0x4e: {  	_ =	shalt  }
0x4f: {  	_ =	shalt  }
0x50: {  	_ =	shalt  }
0x51: {  	_ =	shalt  }
0x52: {  	_ =	shalt  }
0x53: {  	_ =	shalt  }
0x54: {  	_ =	shalt  }
0x55: {  	_ =	shalt  }
0x56: {  	_ =	shalt  }
0x57: {  	_ =	shalt  }
0x58: {  	_ =	shalt  }
0x59: {  	_ =	shalt  }
0x5a: {  	_ =	shalt  }
0x5b: {  	_ =	shalt  }
0x5c: {  	_ =	shalt  }
0x5d: {  	_ =	shalt  }
0x5e: {  	_ =	shalt  }
0x5f: {  	_ =	shalt  }
0x60: {  	_ =	shalt  }
0x61: {  	_ =	shalt  }
0x62: {  	_ =	shalt  }
0x63: {  	_ =	shalt  }
0x64: {  	_ =	shalt  }
0x65: {  	_ =	shalt  }
0x66: {  	_ =	shalt  }
0x67: {  	_ =	shalt  }
0x68: {  	_ =	shalt  }
0x69: {  	_ =	shalt  }
0x6a: {  	_ =	shalt  }
0x6b: {  	_ =	shalt  }
0x6c: {  	_ =	shalt  }
0x6d: {  	_ =	shalt  }
0x6e: {  	_ =	shalt  }
0x6f: {  	_ =	shalt  }
0x70: {  	_ =	shalt  }
0x71: {  	_ =	shalt  }
0x72: {  	_ =	shalt  }
0x73: {  	_ =	shalt  }
0x74: {  	_ =	shalt  }
0x75: {  	_ =	shalt  }
0x76: {  	_ =	shalt  }
0x77: {  	_ =	shalt  }
0x78: {  	_ =	shalt  }
0x79: {  	_ =	shalt  }
0x7a: {  	_ =	shalt  }
0x7b: {  	_ =	shalt  }
0x7c: {  	_ =	shalt  }
0x7d: {  	_ =	shalt  }
0x7e: {  	_ =	shalt  }
0x7f: {  	_ =	shalt  }
0x80: {  	_ =	shalt  }
0x81: {  	_ =	shalt  }
0x82: {  	_ =	shalt  }
0x83: {  	_ =	shalt  }
0x84: {  	_ =	shalt  }
0x85: {  	_ =	shalt  }
0x86: {  	_ =	shalt  }
0x87: {  	_ =	shalt  }
.Lfunc_end0:
.L_simem_size_0:
called_computation_lowered:
.L_overlay_start_0:
0x88: {  	s2 =	sld [smem:$0x3FD9]  }
0x89: {  	s3 =	sld [smem:$0x3FFE];
	_ =	sdelay $0x1  }
0x8a: {  	s1 =	srdreg.scid  }
0x8b: {  	s0 =	sand.u32 $0x1, s1  }
0x8c: {  	s17 =	sshll.u32 s0, $0xA;
	s2 =	sadd.s32 s3, s2  }
0x8d: {  	s2 =	sadd.s32 s2, s17  }
0x8e: {  	[smem:$0x3FC6] =	sst s2  }
0x8f: {  	_ = 	snop  }
0x90: {  	s2 =	sld [smem:$0x3FD0];
	(tm) =	ssettm $0x1  }
0x91: {  	s18 =	sld [smem:$0x3FFB];
	_ =	sdelay $0x3  }
0x92: {  	_ =	strace s18  }
0x93: {  	s3 =	sld [smem:$0x3FFC];
	_ =	sdelay $0x3  }
0x94: {  	_ =	strace s3  }
0x95: {  	s3 =	sld [smem:$0x3FFD];
	_ =	sdelay $0x3  }
0x96: {  	_ =	strace s3  }
0x97: {  	_ =	strace $0x8FFFFFFF  }
0x98: {  	s19 =	sld [smem:$0x3FDB];
	_ =	sdelay $0x1  }
0x99: {  	s4 =	simm.s32 $_scs_section_size  }
0x9a: {  	s5 =	simm.s32 $_size__tile_overlayer_lowered;
	s6 =	simm.s32 $_tile_overlayer_lowered  }
0x9b: {  	s22 =	simm.s32 $0x1BFF;
	s21 =	sshll.u32 s6, $0x1;
	s3 =	sadd.s32 s4, s19  }
0x9c: {  	s7 =	simm.s32 $0x0;
	s20 =	sshll.u32 s5, $0x1;
	s5 =	sadd.s32 s21, s3  }
0x9d: {  	[timem:s7], [sflag:s22] =	dma.local [hbm:s5], s20  }
0x9e: {  	_ =	swait.ge [sflag:s22], s20  }
0x9f: {  	s4 =	ssub.s32 $0x0, s20;
	[sflag:s22] =	ssyncset.done $0x0  }
0xa0: {  	[sflag:s22] =	ssyncadd.s32 s4;
	_ =	sdelay $0x1  }
0xa1: {  	s23 =	simm.s32 $0x1B8B  }
0xa2: {  	_ =	swait.ge [sflag:s23], $0x1  }
0xa3: {  	[sflag:s23] =	ssyncset.done $0x0  }
0xa4: {  	s25 =	simm.s32 $0x1B8E;
	s24 =	sld [smem:$0x3FFE];
	[sflag:s23] =	ssyncadd.s32 $0xFFFFFFFF  }
0xa5: {  	s26 =	simm.s32 $execute0_lowered;
	[smem:$0x3FD2] =	sst s25  }
0xa6: {  	s5 =	sshll.u32 s26, $0x1;
	_ =	strace $0x80000046;
	[dreg:$0x1] =	wrdreg $0xFFFFFFFF  }
0xa7: {  	s28 =	simm.s32 $_size_execute0_lowered;
	s3 =	sadd.s32 s3, s5;
	[dreg:$0x0] =	wrdreg $0x0  }
0xa8: {  	s5 =	sshll.u32 s28, $0x1;
	[dreg:$0x2] =	wrdreg s3  }
0xa9: {  	[dreg:$0x3] =	wrdreg s5  }
0xaa: {  	[dreg:$0x4] =	wrdreg $0xC0  }
0xab: {  	_ =	task [dreg:s7], $0x5FFFF  }
0xac: {  	[dreg:$0x1] =	wrdreg $0xFFFFFFFF  }
0xad: {  	[dreg:$0x0] =	wrdreg $0x60  }
0xae: {  	[dreg:$0x2] =	wrdreg s2  }
0xaf: {  	[dreg:$0x3] =	wrdreg s24  }
0xb0: {  	[dreg:$0x4] =	wrdreg $0x9  }
0xb1: {  	_ =	task.clear_ibuf [dreg:s7], $0x5FFFF;
	_ =	strace $0x90000046  }
0xb2: {  	s29 =	simm.s32 $0x9;
	_ =	strace $0x80000048  }
0xb3: {  	_ =	swait.ge [sflag:s29], $0x1  }
0xb4: {  	[sflag:s29] =	ssyncadd.s32 $0xFFFFFFFF  }
0xb5: {  	_ =	strace $0x90000048  }
0xb6: {  	_ =	sfence  }
0xb7: {  	s30 =	sld [smem:$0x0];
	_ =	sdelay $0x2  }
0xb8: {  	s31 =	sshll.u32 s1, $0xD;
	s1 =	sshrl.u32 s1, $0x2  }
0xb9: {  	s3 =	sand.u32 $0x4000, s31;
	s1 =	sadd.s32 s1, s30  }
0xba: {  	s0 =	sor.u32 s3, s0;
	s1 =	sshll.u32 s1, $0x11  }
0xbb: {  	s0 =	sor.u32 s1, s0  }
0xbc: {  	s0 =	sadd.s32 $0x8F2B, s0  }
0xbd: {  	[sflag:s0] =	ssyncadd.remote.s32 $0x1  }
0xbe: {  	_ =	sfence.sel $0xFFFF  }
0xbf: {  	[dreg:$0x0] =	wrdreg $0xFFFFFFFF;
	(pc) =	sbr.abs _section_cstart, $3  }
0xc0: {  	[dreg:$0x1] =	wrdreg $0xFFFFFFFF  }
0xc1: {  	_ =	task.clear_ibuf [dreg:s7], $0x2FFFF;
	_ =	strace $0x9FFFFFFF  }
0xc2: {  	(tm) =	ssettm $0x7FFFFFFF  }
0xc3: {  	_ =	shalt  }
tec
execute0_lowered:
.L_overlay_start_1:
0x0: {  	(tag) =	ssettag $0x1  }
0x1: {  	s1 =	rddreg [dreg:$0x0]  }
0x2: {  	s3 =	rddreg [dreg:$0x1]  }
0x3: {  	s0 =	rddreg [dreg:$0x2];
	s2 =	simm.s32 $0x0  }
0x4: {  	s4 =	srdreg.scid;
	s11 =	simm.s32 $0x100;
	s12 =	simm.s32 $0x8000  }
0x5: {  	s13 =	simm.s32 $0x1;
	s14 =	simm.s32 $0x2A00;
	s15 =	simm.s32 $0x0  }
0x6: {  	[smem:$0x7FF] =	sst s2;
	s6 =	sand.u32 $0x1, s4;
	s4 =	sadd.s32 $0x400, s3  }
0x7: {  	s5 =	sadd.s32 $0x14400, s3;
	s3 =	stileid.u32;
	_ =	strace $0x80000047  }
0x8: {  	s7 =	ssub.s32 $0x2, s6;
	s30 =	sshll.u32 s3, $0x4;
	s9 =	sshrl.u32 s3, $0x3  }
0x9: {  	s31 =	sshll.u32 s6, $0x3;
	s8 =	sshrl.u32 s7, $0x1;
	s6 =	smul.u32 $0x50000, s9  }
0xa: {  	s10 =	ssub.s32 s7, s8;
	s7 =	sand.u32 $0x70, s30;
	s8 =	sshll.u32 s9, $0x14  }
0xb: {  	v0 =	vlaneseq.u32;
	s9 =	smul.u32 $0xA00000, s9;
	s7 =	sor.u32 s31, s7;
	s10 =	smax.u32 s10, $0x1  }
.LBB2_1:
0xc: {  	s16 =	simm.s32 $0x0  }
.LBB2_2:
0xd: {  	s17 =	sadd.s32 s7, s16  }
0xe: {  	s17 =	sshll.u32 s17, $0x8  }
0xf: {  	s18 =	sadd.s32 s8, s17  }
0x10: {  	s18 =	sshrl.u32 s18, $0x3  }
0x11: {  	s19 =	sadd.s32 s1, s18;
	s18 =	simm.s32 $0x0  }
0x12: {  	[tilespmem:s18], [sflag:$0x1] =	stream.strided.gather [hbm4b:s19+s11], $0x2000, s12, s11, $0x38;
	[tilespmem:$0x16A00] =	vst v63  }
0x13: {  	s31 =	sadd.s32 s6, s17;
	_ =	swait.ge [sflag:s13], $0x2000  }
0x14: {  	s19 =	sshrl.u32 s31, $0x3;
	[sflag:s13] =	ssyncset.done $0x0  }
0x15: {  	s20 =	sadd.s32 s4, s19;
	s19 =	simm.s32 $0x2000;
	[sflag:s13] =	ssyncadd.s32 $0xFFFFE000  }
0x16: {  	[tilespmem:s19], [sflag:$0x1] =	stream.strided.gather [hbm4b:s20+s11], $0xA00, s12, s11, $0x38;
	[tilespmem:$0x16A00] =	vst v63  }
0x17: {  	_ =	swait.ge [sflag:s13], $0xA00  }
0x18: {  	[sflag:s13] =	ssyncset.done $0x0  }
0x19: {  	s21 =	simm.s32 $0x0;
	s20 =	simm.s32 $0x2A00;
	[sflag:s13] =	ssyncadd.s32 $0xFFFFF600  }
.LBB2_3:
0x1a: {  	v2 =	vmov s19;
	_ =	sdelay $0x3  }
0x1b: {  	s22 =	simm.s32 $0x0  }
0x1c: {  	v1 =	vld.idx.msk [tilespmem:v2+s22+$0x0 ss:$0x1], $0xffff;
	_ =	sdelay $0x1  }
0x1d: {  	v3 =	vor.u32 s18, v0  }
0x1e: {  	v3 =	vcvt.s32.f32 v3;
	_ =	sdelay $0x1  }
0x1f: {  	v1 =	vsub.f32 v3, v1;
	_ =	sdelay $0x1  }
0x20: {  	v1 =	vmax.f32 v1, $0.0e+00  }
0x21: {  	v1 =	vmin.f32 v1, $2.550000000e+02  }
0x22: {  	v1 =	vtrunc.f32 v1  }
0x23: {  	v3 =	vcvt.f32.s32 v1;
	_ =	sdelay $0x5  }
0x24: {  	v1 =	vmov s20;
	v4 =	vld.idx.msk [tilespmem:v3+s2+$0x0], $0xffff  }
0x25: {  	v5 =	vadd.s32 $0x100, v3;
	_ =	sdelay $0x3  }
0x26: {  	[tilespmem:v1+s22+$0x0 ss:$0x1] =	vst.idx.msk $0xffff, v4  }
0x27: {  	v4 =	vld.idx.msk [tilespmem:v5+s2+$0x0], $0xffff  }
0x28: {  	v5 =	vadd.s32 $0x200, v3;
	_ =	sdelay $0x3  }
0x29: {  	[tilespmem:v1+s22+$0xA00 ss:$0x1] =	vst.idx.msk $0xffff, v4  }
0x2a: {  	v4 =	vld.idx.msk [tilespmem:v5+s2+$0x0], $0xffff  }
0x2b: {  	v5 =	vadd.s32 $0x300, v3;
	_ =	sdelay $0x3  }
0x2c: {  	[tilespmem:v1+s22+$0x1400 ss:$0x1] =	vst.idx.msk $0xffff, v4  }
0x2d: {  	v4 =	vld.idx.msk [tilespmem:v5+s2+$0x0], $0xffff  }
0x2e: {  	v5 =	vadd.s32 $0x400, v3;
	_ =	sdelay $0x3  }
0x2f: {  	[tilespmem:v1+s22+$0x1E00 ss:$0x1] =	vst.idx.msk $0xffff, v4  }
0x30: {  	v4 =	vld.idx.msk [tilespmem:v5+s2+$0x0], $0xffff  }
0x31: {  	v5 =	vadd.s32 $0x500, v3;
	_ =	sdelay $0x3  }
0x32: {  	[tilespmem:v1+s22+$0x2800 ss:$0x1] =	vst.idx.msk $0xffff, v4  }
0x33: {  	v4 =	vld.idx.msk [tilespmem:v5+s2+$0x0], $0xffff  }
0x34: {  	v5 =	vadd.s32 $0x600, v3;
	_ =	sdelay $0x3  }
0x35: {  	[tilespmem:v1+s22+$0x3200 ss:$0x1] =	vst.idx.msk $0xffff, v4  }
0x36: {  	v4 =	vld.idx.msk [tilespmem:v5+s2+$0x0], $0xffff  }
0x37: {  	v5 =	vadd.s32 $0x700, v3;
	_ =	sdelay $0x3  }
0x38: {  	[tilespmem:v1+s22+$0x3C00 ss:$0x1] =	vst.idx.msk $0xffff, v4  }
0x39: {  	v4 =	vld.idx.msk [tilespmem:v5+s2+$0x0], $0xffff  }
0x3a: {  	v5 =	vadd.s32 $0x800, v3;
	_ =	sdelay $0x3  }
0x3b: {  	[tilespmem:v1+s22+$0x4600 ss:$0x1] =	vst.idx.msk $0xffff, v4  }
0x3c: {  	v4 =	vld.idx.msk [tilespmem:v5+s2+$0x0], $0xffff  }
0x3d: {  	v5 =	vadd.s32 $0x900, v3;
	_ =	sdelay $0x3  }
0x3e: {  	[tilespmem:v1+s22+$0x5000 ss:$0x1] =	vst.idx.msk $0xffff, v4  }
0x3f: {  	v4 =	vld.idx.msk [tilespmem:v5+s2+$0x0], $0xffff  }
0x40: {  	v5 =	vadd.s32 $0xA00, v3;
	_ =	sdelay $0x3  }
0x41: {  	[tilespmem:v1+s22+$0x5A00 ss:$0x1] =	vst.idx.msk $0xffff, v4  }
0x42: {  	v4 =	vld.idx.msk [tilespmem:v5+s2+$0x0], $0xffff  }
0x43: {  	v5 =	vadd.s32 $0xB00, v3;
	_ =	sdelay $0x3  }
0x44: {  	[tilespmem:v1+s22+$0x6400 ss:$0x1] =	vst.idx.msk $0xffff, v4  }
0x45: {  	v4 =	vld.idx.msk [tilespmem:v5+s2+$0x0], $0xffff  }
0x46: {  	v5 =	vadd.s32 $0xC00, v3;
	_ =	sdelay $0x3  }
0x47: {  	[tilespmem:v1+s22+$0x6E00 ss:$0x1] =	vst.idx.msk $0xffff, v4  }
0x48: {  	v4 =	vld.idx.msk [tilespmem:v5+s2+$0x0], $0xffff  }
0x49: {  	v5 =	vadd.s32 $0xD00, v3;
	_ =	sdelay $0x3  }
0x4a: {  	[tilespmem:v1+s22+$0x7800 ss:$0x1] =	vst.idx.msk $0xffff, v4  }
0x4b: {  	v4 =	vld.idx.msk [tilespmem:v5+s2+$0x0], $0xffff  }
0x4c: {  	v5 =	vadd.s32 $0xE00, v3;
	_ =	sdelay $0x3  }
0x4d: {  	[tilespmem:v1+s22+$0x8200 ss:$0x1] =	vst.idx.msk $0xffff, v4  }
0x4e: {  	v4 =	vld.idx.msk [tilespmem:v5+s2+$0x0], $0xffff  }
0x4f: {  	v5 =	vadd.s32 $0xF00, v3;
	_ =	sdelay $0x3  }
0x50: {  	[tilespmem:v1+s22+$0x8C00 ss:$0x1] =	vst.idx.msk $0xffff, v4  }
0x51: {  	v4 =	vld.idx.msk [tilespmem:v5+s2+$0x0], $0xffff  }
0x52: {  	v5 =	vadd.s32 $0x1000, v3;
	_ =	sdelay $0x3  }
0x53: {  	[tilespmem:v1+s22+$0x9600 ss:$0x1] =	vst.idx.msk $0xffff, v4  }
0x54: {  	v4 =	vld.idx.msk [tilespmem:v5+s2+$0x0], $0xffff  }
0x55: {  	v5 =	vadd.s32 $0x1100, v3;
	_ =	sdelay $0x3  }
0x56: {  	[tilespmem:v1+s22+$0xA000 ss:$0x1] =	vst.idx.msk $0xffff, v4  }
0x57: {  	v4 =	vld.idx.msk [tilespmem:v5+s2+$0x0], $0xffff  }
0x58: {  	v5 =	vadd.s32 $0x1200, v3;
	_ =	sdelay $0x3  }
0x59: {  	[tilespmem:v1+s22+$0xAA00 ss:$0x1] =	vst.idx.msk $0xffff, v4  }
0x5a: {  	v4 =	vld.idx.msk [tilespmem:v5+s2+$0x0], $0xffff  }
0x5b: {  	v5 =	vadd.s32 $0x1300, v3;
	_ =	sdelay $0x3  }
0x5c: {  	[tilespmem:v1+s22+$0xB400 ss:$0x1] =	vst.idx.msk $0xffff, v4  }
0x5d: {  	v4 =	vld.idx.msk [tilespmem:v5+s2+$0x0], $0xffff  }
0x5e: {  	v5 =	vadd.s32 $0x1400, v3;
	_ =	sdelay $0x3  }
0x5f: {  	[tilespmem:v1+s22+$0xBE00 ss:$0x1] =	vst.idx.msk $0xffff, v4  }
0x60: {  	v4 =	vld.idx.msk [tilespmem:v5+s2+$0x0], $0xffff  }
0x61: {  	v5 =	vadd.s32 $0x1500, v3;
	_ =	sdelay $0x3  }
0x62: {  	[tilespmem:v1+s22+$0xC800 ss:$0x1] =	vst.idx.msk $0xffff, v4  }
0x63: {  	v4 =	vld.idx.msk [tilespmem:v5+s2+$0x0], $0xffff  }
0x64: {  	v5 =	vadd.s32 $0x1600, v3;
	_ =	sdelay $0x3  }
0x65: {  	[tilespmem:v1+s22+$0xD200 ss:$0x1] =	vst.idx.msk $0xffff, v4  }
0x66: {  	v4 =	vld.idx.msk [tilespmem:v5+s2+$0x0], $0xffff  }
0x67: {  	v5 =	vadd.s32 $0x1700, v3;
	_ =	sdelay $0x3  }
0x68: {  	[tilespmem:v1+s22+$0xDC00 ss:$0x1] =	vst.idx.msk $0xffff, v4  }
0x69: {  	v4 =	vld.idx.msk [tilespmem:v5+s2+$0x0], $0xffff  }
0x6a: {  	v5 =	vadd.s32 $0x1800, v3;
	_ =	sdelay $0x3  }
0x6b: {  	[tilespmem:v1+s22+$0xE600 ss:$0x1] =	vst.idx.msk $0xffff, v4  }
0x6c: {  	v4 =	vld.idx.msk [tilespmem:v5+s2+$0x0], $0xffff  }
0x6d: {  	v5 =	vadd.s32 $0x1900, v3;
	_ =	sdelay $0x3  }
0x6e: {  	[tilespmem:v1+s22+$0xF000 ss:$0x1] =	vst.idx.msk $0xffff, v4  }
0x6f: {  	v4 =	vld.idx.msk [tilespmem:v5+s2+$0x0], $0xffff  }
0x70: {  	v5 =	vadd.s32 $0x1A00, v3;
	_ =	sdelay $0x3  }
0x71: {  	[tilespmem:v1+s22+$0xFA00 ss:$0x1] =	vst.idx.msk $0xffff, v4  }
0x72: {  	v4 =	vld.idx.msk [tilespmem:v5+s2+$0x0], $0xffff  }
0x73: {  	v5 =	vadd.s32 $0x1B00, v3;
	_ =	sdelay $0x3  }
0x74: {  	[tilespmem:v1+s22+$0x10400 ss:$0x1] =	vst.idx.msk $0xffff, v4  }
0x75: {  	v4 =	vld.idx.msk [tilespmem:v5+s2+$0x0], $0xffff  }
0x76: {  	v5 =	vadd.s32 $0x1C00, v3;
	_ =	sdelay $0x3  }
0x77: {  	[tilespmem:v1+s22+$0x10E00 ss:$0x1] =	vst.idx.msk $0xffff, v4  }
0x78: {  	v4 =	vld.idx.msk [tilespmem:v5+s2+$0x0], $0xffff  }
0x79: {  	v5 =	vadd.s32 $0x1D00, v3;
	_ =	sdelay $0x3  }
0x7a: {  	[tilespmem:v1+s22+$0x11800 ss:$0x1] =	vst.idx.msk $0xffff, v4  }
0x7b: {  	v4 =	vld.idx.msk [tilespmem:v5+s2+$0x0], $0xffff  }
0x7c: {  	v5 =	vadd.s32 $0x1E00, v3;
	_ =	sdelay $0x3  }
0x7d: {  	[tilespmem:v1+s22+$0x12200 ss:$0x1] =	vst.idx.msk $0xffff, v4  }
0x7e: {  	v4 =	vld.idx.msk [tilespmem:v5+s2+$0x0], $0xffff  }
0x7f: {  	v3 =	vadd.s32 $0x1F00, v3;
	_ =	sdelay $0x3  }
0x80: {  	[tilespmem:v1+s22+$0x12C00 ss:$0x1] =	vst.idx.msk $0xffff, v4  }
0x81: {  	s24 =	simm.s32 $0x40;
	s26 =	simm.s32 $0x80;
	s23 =	simm.s32 $0x0;
	v3 =	vld.idx.msk [tilespmem:v3+s2+$0x0], $0xffff  }
.LBB2_4:
0x82: {  	_ =	sdelay $0x2  }
0x83: {  	s23 =	sadd.s32 $0x10, s23  }
0x84: {  	s25 =	sadd.s32 $0x40, s26;
	[tilespmem:v1+s22+$0x13600 ss:$0x1] =	vst.idx.msk $0xffff, v3;
	s22 =	sshra.s32 s24, $0x2;
	s24 =	smov.u32 s26  }
0x85: {  	p0 =	sne.s32 s26, $0x3C0;
	v3 =	vld.idx.msk [tilespmem:v2+s22+$0x0 ss:$0x1], $0xffff;
	_ =	sdelay $0x2  }
0x86: {  	v4 =	vor.u32 s23, v0  }
0x87: {  	v4 =	vcvt.s32.f32 v4;
	_ =	sdelay $0x1  }
0x88: {  	v3 =	vsub.f32 v4, v3;
	_ =	sdelay $0x1  }
0x89: {  	v3 =	vmax.f32 v3, $0.0e+00  }
0x8a: {  	v3 =	vmin.f32 v3, $2.550000000e+02  }
0x8b: {  	v3 =	vtrunc.f32 v3  }
0x8c: {  	v3 =	vcvt.f32.s32 v3;
	_ =	sdelay $0x5  }
0x8d: {  	v4 =	vld.idx.msk [tilespmem:v3+s2+$0x0], $0xffff;
	_ =	sdelay $0x1  }
0x8e: {  	v5 =	vadd.s32 $0x100, v3;
	_ =	sdelay $0x3  }
0x8f: {  	[tilespmem:v1+s22+$0x0 ss:$0x1] =	vst.idx.msk $0xffff, v4  }
0x90: {  	v4 =	vld.idx.msk [tilespmem:v5+s2+$0x0], $0xffff;
	_ =	sdelay $0x1  }
0x91: {  	v5 =	vadd.s32 $0x200, v3;
	_ =	sdelay $0x3  }
0x92: {  	[tilespmem:v1+s22+$0xA00 ss:$0x1] =	vst.idx.msk $0xffff, v4  }
0x93: {  	v4 =	vld.idx.msk [tilespmem:v5+s2+$0x0], $0xffff;
	_ =	sdelay $0x1  }
0x94: {  	v5 =	vadd.s32 $0x300, v3;
	_ =	sdelay $0x3  }
0x95: {  	[tilespmem:v1+s22+$0x1400 ss:$0x1] =	vst.idx.msk $0xffff, v4  }
0x96: {  	v4 =	vld.idx.msk [tilespmem:v5+s2+$0x0], $0xffff;
	_ =	sdelay $0x1  }
0x97: {  	v5 =	vadd.s32 $0x400, v3;
	_ =	sdelay $0x3  }
0x98: {  	[tilespmem:v1+s22+$0x1E00 ss:$0x1] =	vst.idx.msk $0xffff, v4  }
0x99: {  	v4 =	vld.idx.msk [tilespmem:v5+s2+$0x0], $0xffff;
	_ =	sdelay $0x1  }
0x9a: {  	v5 =	vadd.s32 $0x500, v3;
	_ =	sdelay $0x3  }
0x9b: {  	[tilespmem:v1+s22+$0x2800 ss:$0x1] =	vst.idx.msk $0xffff, v4  }
0x9c: {  	v4 =	vld.idx.msk [tilespmem:v5+s2+$0x0], $0xffff;
	_ =	sdelay $0x1  }
0x9d: {  	v5 =	vadd.s32 $0x600, v3;
	_ =	sdelay $0x3  }
0x9e: {  	[tilespmem:v1+s22+$0x3200 ss:$0x1] =	vst.idx.msk $0xffff, v4  }
0x9f: {  	v4 =	vld.idx.msk [tilespmem:v5+s2+$0x0], $0xffff;
	_ =	sdelay $0x1  }
0xa0: {  	v5 =	vadd.s32 $0x700, v3;
	_ =	sdelay $0x3  }
0xa1: {  	[tilespmem:v1+s22+$0x3C00 ss:$0x1] =	vst.idx.msk $0xffff, v4  }
0xa2: {  	v4 =	vld.idx.msk [tilespmem:v5+s2+$0x0], $0xffff;
	_ =	sdelay $0x1  }
0xa3: {  	v5 =	vadd.s32 $0x800, v3;
	_ =	sdelay $0x3  }
0xa4: {  	[tilespmem:v1+s22+$0x4600 ss:$0x1] =	vst.idx.msk $0xffff, v4  }
0xa5: {  	v4 =	vld.idx.msk [tilespmem:v5+s2+$0x0], $0xffff;
	_ =	sdelay $0x1  }
0xa6: {  	v5 =	vadd.s32 $0x900, v3;
	_ =	sdelay $0x3  }
0xa7: {  	[tilespmem:v1+s22+$0x5000 ss:$0x1] =	vst.idx.msk $0xffff, v4  }
0xa8: {  	v4 =	vld.idx.msk [tilespmem:v5+s2+$0x0], $0xffff;
	_ =	sdelay $0x1  }
0xa9: {  	v5 =	vadd.s32 $0xA00, v3;
	_ =	sdelay $0x3  }
0xaa: {  	[tilespmem:v1+s22+$0x5A00 ss:$0x1] =	vst.idx.msk $0xffff, v4  }
0xab: {  	v4 =	vld.idx.msk [tilespmem:v5+s2+$0x0], $0xffff;
	_ =	sdelay $0x1  }
0xac: {  	v5 =	vadd.s32 $0xB00, v3;
	_ =	sdelay $0x3  }
0xad: {  	[tilespmem:v1+s22+$0x6400 ss:$0x1] =	vst.idx.msk $0xffff, v4  }
0xae: {  	v4 =	vld.idx.msk [tilespmem:v5+s2+$0x0], $0xffff;
	_ =	sdelay $0x1  }
0xaf: {  	v5 =	vadd.s32 $0xC00, v3;
	_ =	sdelay $0x3  }
0xb0: {  	[tilespmem:v1+s22+$0x6E00 ss:$0x1] =	vst.idx.msk $0xffff, v4  }
0xb1: {  	v4 =	vld.idx.msk [tilespmem:v5+s2+$0x0], $0xffff;
	_ =	sdelay $0x1  }
0xb2: {  	v5 =	vadd.s32 $0xD00, v3;
	_ =	sdelay $0x3  }
0xb3: {  	[tilespmem:v1+s22+$0x7800 ss:$0x1] =	vst.idx.msk $0xffff, v4  }
0xb4: {  	v4 =	vld.idx.msk [tilespmem:v5+s2+$0x0], $0xffff;
	_ =	sdelay $0x1  }
0xb5: {  	v5 =	vadd.s32 $0xE00, v3;
	_ =	sdelay $0x3  }
0xb6: {  	[tilespmem:v1+s22+$0x8200 ss:$0x1] =	vst.idx.msk $0xffff, v4  }
0xb7: {  	v4 =	vld.idx.msk [tilespmem:v5+s2+$0x0], $0xffff;
	_ =	sdelay $0x1  }
0xb8: {  	v5 =	vadd.s32 $0xF00, v3;
	_ =	sdelay $0x3  }
0xb9: {  	[tilespmem:v1+s22+$0x8C00 ss:$0x1] =	vst.idx.msk $0xffff, v4  }
0xba: {  	v4 =	vld.idx.msk [tilespmem:v5+s2+$0x0], $0xffff;
	_ =	sdelay $0x1  }
0xbb: {  	v5 =	vadd.s32 $0x1000, v3;
	_ =	sdelay $0x3  }
0xbc: {  	[tilespmem:v1+s22+$0x9600 ss:$0x1] =	vst.idx.msk $0xffff, v4  }
0xbd: {  	v4 =	vld.idx.msk [tilespmem:v5+s2+$0x0], $0xffff;
	_ =	sdelay $0x1  }
0xbe: {  	v5 =	vadd.s32 $0x1100, v3;
	_ =	sdelay $0x3  }
0xbf: {  	[tilespmem:v1+s22+$0xA000 ss:$0x1] =	vst.idx.msk $0xffff, v4  }
0xc0: {  	v4 =	vld.idx.msk [tilespmem:v5+s2+$0x0], $0xffff;
	_ =	sdelay $0x1  }
0xc1: {  	v5 =	vadd.s32 $0x1200, v3;
	_ =	sdelay $0x3  }
0xc2: {  	[tilespmem:v1+s22+$0xAA00 ss:$0x1] =	vst.idx.msk $0xffff, v4  }
0xc3: {  	v4 =	vld.idx.msk [tilespmem:v5+s2+$0x0], $0xffff;
	_ =	sdelay $0x1  }
0xc4: {  	v5 =	vadd.s32 $0x1300, v3;
	_ =	sdelay $0x3  }
0xc5: {  	[tilespmem:v1+s22+$0xB400 ss:$0x1] =	vst.idx.msk $0xffff, v4  }
0xc6: {  	v4 =	vld.idx.msk [tilespmem:v5+s2+$0x0], $0xffff;
	_ =	sdelay $0x1  }
0xc7: {  	v5 =	vadd.s32 $0x1400, v3;
	_ =	sdelay $0x3  }
0xc8: {  	[tilespmem:v1+s22+$0xBE00 ss:$0x1] =	vst.idx.msk $0xffff, v4  }
0xc9: {  	v4 =	vld.idx.msk [tilespmem:v5+s2+$0x0], $0xffff;
	_ =	sdelay $0x1  }
0xca: {  	v5 =	vadd.s32 $0x1500, v3;
	_ =	sdelay $0x3  }
0xcb: {  	[tilespmem:v1+s22+$0xC800 ss:$0x1] =	vst.idx.msk $0xffff, v4  }
0xcc: {  	v4 =	vld.idx.msk [tilespmem:v5+s2+$0x0], $0xffff;
	_ =	sdelay $0x1  }
0xcd: {  	v5 =	vadd.s32 $0x1600, v3;
	_ =	sdelay $0x3  }
0xce: {  	[tilespmem:v1+s22+$0xD200 ss:$0x1] =	vst.idx.msk $0xffff, v4  }
0xcf: {  	v4 =	vld.idx.msk [tilespmem:v5+s2+$0x0], $0xffff;
	_ =	sdelay $0x1  }
0xd0: {  	v5 =	vadd.s32 $0x1700, v3;
	_ =	sdelay $0x3  }
0xd1: {  	[tilespmem:v1+s22+$0xDC00 ss:$0x1] =	vst.idx.msk $0xffff, v4  }
0xd2: {  	v4 =	vld.idx.msk [tilespmem:v5+s2+$0x0], $0xffff;
	_ =	sdelay $0x1  }
0xd3: {  	v5 =	vadd.s32 $0x1800, v3;
	_ =	sdelay $0x3  }
0xd4: {  	[tilespmem:v1+s22+$0xE600 ss:$0x1] =	vst.idx.msk $0xffff, v4  }
0xd5: {  	v4 =	vld.idx.msk [tilespmem:v5+s2+$0x0], $0xffff;
	_ =	sdelay $0x1  }
0xd6: {  	v5 =	vadd.s32 $0x1900, v3;
	_ =	sdelay $0x3  }
0xd7: {  	[tilespmem:v1+s22+$0xF000 ss:$0x1] =	vst.idx.msk $0xffff, v4  }
0xd8: {  	v4 =	vld.idx.msk [tilespmem:v5+s2+$0x0], $0xffff;
	_ =	sdelay $0x1  }
0xd9: {  	v5 =	vadd.s32 $0x1A00, v3;
	_ =	sdelay $0x3  }
0xda: {  	[tilespmem:v1+s22+$0xFA00 ss:$0x1] =	vst.idx.msk $0xffff, v4  }
0xdb: {  	v4 =	vld.idx.msk [tilespmem:v5+s2+$0x0], $0xffff;
	_ =	sdelay $0x1  }
0xdc: {  	v5 =	vadd.s32 $0x1B00, v3;
	_ =	sdelay $0x3  }
0xdd: {  	[tilespmem:v1+s22+$0x10400 ss:$0x1] =	vst.idx.msk $0xffff, v4  }
0xde: {  	v4 =	vld.idx.msk [tilespmem:v5+s2+$0x0], $0xffff;
	_ =	sdelay $0x1  }
0xdf: {  	v5 =	vadd.s32 $0x1C00, v3;
	_ =	sdelay $0x3  }
0xe0: {  	[tilespmem:v1+s22+$0x10E00 ss:$0x1] =	vst.idx.msk $0xffff, v4  }
0xe1: {  	v4 =	vld.idx.msk [tilespmem:v5+s2+$0x0], $0xffff;
	_ =	sdelay $0x1  }
0xe2: {  	v5 =	vadd.s32 $0x1D00, v3;
	_ =	sdelay $0x3  }
0xe3: {  	[tilespmem:v1+s22+$0x11800 ss:$0x1] =	vst.idx.msk $0xffff, v4  }
0xe4: {  	v4 =	vld.idx.msk [tilespmem:v5+s2+$0x0], $0xffff;
	_ =	sdelay $0x1  }
0xe5: {  	v5 =	vadd.s32 $0x1E00, v3;
	_ =	sdelay $0x3  }
0xe6: {  	[tilespmem:v1+s22+$0x12200 ss:$0x1] =	vst.idx.msk $0xffff, v4  }
0xe7: {  	v4 =	vld.idx.msk [tilespmem:v5+s2+$0x0], $0xffff;
	_ =	sdelay $0x1  }
0xe8: {  	v3 =	vadd.s32 $0x1F00, v3  }
.Ltmp0:
0xe9: {  	(pc) =	sbr.rel @p0 .LBB2_4-.Ltmp0, $3  }
0xea: {  	_ =	sdelay $0x1  }
0xeb: {  	[tilespmem:v1+s22+$0x12C00 ss:$0x1] =	vst.idx.msk $0xffff, v4  }
0xec: {  	s26 =	smov.u32 s25;
	v3 =	vld.idx.msk [tilespmem:v3+s2+$0x0], $0xffff  }
0xed: {  	_ =	sdelay $0x3  }
0xee: {  	s24 =	sshra.s32 s24, $0x2;
	[tilespmem:v1+s22+$0x13600 ss:$0x1] =	vst.idx.msk $0xffff, v3  }
0xef: {  	v2 =	vld.idx.msk [tilespmem:v2+s24+$0x0 ss:$0x1], $0xffff  }
0xf0: {  	s31 =	sadd.s32 $0x10, s23  }
0xf1: {  	v3 =	vor.u32 s31, v0  }
0xf2: {  	v3 =	vcvt.s32.f32 v3;
	_ =	sdelay $0x1  }
0xf3: {  	v2 =	vsub.f32 v3, v2;
	_ =	sdelay $0x1  }
0xf4: {  	v2 =	vmax.f32 v2, $0.0e+00  }
0xf5: {  	v2 =	vmin.f32 v2, $2.550000000e+02  }
0xf6: {  	v2 =	vtrunc.f32 v2  }
0xf7: {  	v2 =	vcvt.f32.s32 v2;
	_ =	sdelay $0x5  }
0xf8: {  	v3 =	vld.idx.msk [tilespmem:v2+s2+$0x0], $0xffff  }
0xf9: {  	v4 =	vadd.s32 $0x100, v2;
	_ =	sdelay $0x3  }
0xfa: {  	[tilespmem:v1+s24+$0x0 ss:$0x1] =	vst.idx.msk $0xffff, v3  }
0xfb: {  	v3 =	vld.idx.msk [tilespmem:v4+s2+$0x0], $0xffff  }
0xfc: {  	v35 =	vadd.s32 $0x200, v2;
	_ =	sdelay $0x3  }
0xfd: {  	[tilespmem:v1+s24+$0xA00 ss:$0x1] =	vst.idx.msk $0xffff, v3  }
0xfe: {  	v3 =	vld.idx.msk [tilespmem:v35+s2+$0x0], $0xffff  }
0xff: {  	v36 =	vadd.s32 $0x300, v2;
	_ =	sdelay $0x3  }
0x100: {  	[tilespmem:v1+s24+$0x1400 ss:$0x1] =	vst.idx.msk $0xffff, v3  }
0x101: {  	v3 =	vld.idx.msk [tilespmem:v36+s2+$0x0], $0xffff  }
0x102: {  	v37 =	vadd.s32 $0x400, v2;
	_ =	sdelay $0x3  }
0x103: {  	[tilespmem:v1+s24+$0x1E00 ss:$0x1] =	vst.idx.msk $0xffff, v3  }
0x104: {  	v3 =	vld.idx.msk [tilespmem:v37+s2+$0x0], $0xffff  }
0x105: {  	v38 =	vadd.s32 $0x500, v2;
	_ =	sdelay $0x3  }
0x106: {  	[tilespmem:v1+s24+$0x2800 ss:$0x1] =	vst.idx.msk $0xffff, v3  }
0x107: {  	v3 =	vld.idx.msk [tilespmem:v38+s2+$0x0], $0xffff  }
0x108: {  	v39 =	vadd.s32 $0x600, v2;
	_ =	sdelay $0x3  }
0x109: {  	[tilespmem:v1+s24+$0x3200 ss:$0x1] =	vst.idx.msk $0xffff, v3  }
0x10a: {  	v3 =	vld.idx.msk [tilespmem:v39+s2+$0x0], $0xffff  }
0x10b: {  	v40 =	vadd.s32 $0x700, v2;
	_ =	sdelay $0x3  }
0x10c: {  	[tilespmem:v1+s24+$0x3C00 ss:$0x1] =	vst.idx.msk $0xffff, v3  }
0x10d: {  	v3 =	vld.idx.msk [tilespmem:v40+s2+$0x0], $0xffff  }
0x10e: {  	v41 =	vadd.s32 $0x800, v2;
	_ =	sdelay $0x3  }
0x10f: {  	[tilespmem:v1+s24+$0x4600 ss:$0x1] =	vst.idx.msk $0xffff, v3  }
0x110: {  	v3 =	vld.idx.msk [tilespmem:v41+s2+$0x0], $0xffff  }
0x111: {  	v42 =	vadd.s32 $0x900, v2;
	_ =	sdelay $0x3  }
0x112: {  	[tilespmem:v1+s24+$0x5000 ss:$0x1] =	vst.idx.msk $0xffff, v3  }
0x113: {  	v3 =	vld.idx.msk [tilespmem:v42+s2+$0x0], $0xffff  }
0x114: {  	v43 =	vadd.s32 $0xA00, v2;
	_ =	sdelay $0x3  }
0x115: {  	[tilespmem:v1+s24+$0x5A00 ss:$0x1] =	vst.idx.msk $0xffff, v3  }
0x116: {  	v3 =	vld.idx.msk [tilespmem:v43+s2+$0x0], $0xffff  }
0x117: {  	v44 =	vadd.s32 $0xB00, v2;
	_ =	sdelay $0x3  }
0x118: {  	[tilespmem:v1+s24+$0x6400 ss:$0x1] =	vst.idx.msk $0xffff, v3  }
0x119: {  	v3 =	vld.idx.msk [tilespmem:v44+s2+$0x0], $0xffff  }
0x11a: {  	v45 =	vadd.s32 $0xC00, v2;
	_ =	sdelay $0x3  }
0x11b: {  	[tilespmem:v1+s24+$0x6E00 ss:$0x1] =	vst.idx.msk $0xffff, v3  }
0x11c: {  	v3 =	vld.idx.msk [tilespmem:v45+s2+$0x0], $0xffff  }
0x11d: {  	v46 =	vadd.s32 $0xD00, v2;
	_ =	sdelay $0x3  }
0x11e: {  	[tilespmem:v1+s24+$0x7800 ss:$0x1] =	vst.idx.msk $0xffff, v3  }
0x11f: {  	v3 =	vld.idx.msk [tilespmem:v46+s2+$0x0], $0xffff  }
0x120: {  	v47 =	vadd.s32 $0xE00, v2;
	_ =	sdelay $0x3  }
0x121: {  	[tilespmem:v1+s24+$0x8200 ss:$0x1] =	vst.idx.msk $0xffff, v3  }
0x122: {  	v3 =	vld.idx.msk [tilespmem:v47+s2+$0x0], $0xffff  }
0x123: {  	v48 =	vadd.s32 $0xF00, v2;
	_ =	sdelay $0x3  }
0x124: {  	[tilespmem:v1+s24+$0x8C00 ss:$0x1] =	vst.idx.msk $0xffff, v3  }
0x125: {  	v3 =	vld.idx.msk [tilespmem:v48+s2+$0x0], $0xffff  }
0x126: {  	v49 =	vadd.s32 $0x1000, v2;
	_ =	sdelay $0x3  }
0x127: {  	[tilespmem:v1+s24+$0x9600 ss:$0x1] =	vst.idx.msk $0xffff, v3  }
0x128: {  	v3 =	vld.idx.msk [tilespmem:v49+s2+$0x0], $0xffff  }
0x129: {  	v50 =	vadd.s32 $0x1100, v2;
	_ =	sdelay $0x3  }
0x12a: {  	[tilespmem:v1+s24+$0xA000 ss:$0x1] =	vst.idx.msk $0xffff, v3  }
0x12b: {  	v3 =	vld.idx.msk [tilespmem:v50+s2+$0x0], $0xffff  }
0x12c: {  	v51 =	vadd.s32 $0x1200, v2;
	_ =	sdelay $0x3  }
0x12d: {  	[tilespmem:v1+s24+$0xAA00 ss:$0x1] =	vst.idx.msk $0xffff, v3  }
0x12e: {  	v3 =	vld.idx.msk [tilespmem:v51+s2+$0x0], $0xffff  }
0x12f: {  	v52 =	vadd.s32 $0x1300, v2;
	_ =	sdelay $0x3  }
0x130: {  	[tilespmem:v1+s24+$0xB400 ss:$0x1] =	vst.idx.msk $0xffff, v3  }
0x131: {  	v3 =	vld.idx.msk [tilespmem:v52+s2+$0x0], $0xffff  }
0x132: {  	v53 =	vadd.s32 $0x1400, v2;
	_ =	sdelay $0x3  }
0x133: {  	[tilespmem:v1+s24+$0xBE00 ss:$0x1] =	vst.idx.msk $0xffff, v3  }
0x134: {  	v3 =	vld.idx.msk [tilespmem:v53+s2+$0x0], $0xffff  }
0x135: {  	v54 =	vadd.s32 $0x1500, v2;
	_ =	sdelay $0x3  }
0x136: {  	[tilespmem:v1+s24+$0xC800 ss:$0x1] =	vst.idx.msk $0xffff, v3  }
0x137: {  	v3 =	vld.idx.msk [tilespmem:v54+s2+$0x0], $0xffff  }
0x138: {  	v55 =	vadd.s32 $0x1600, v2;
	_ =	sdelay $0x3  }
0x139: {  	[tilespmem:v1+s24+$0xD200 ss:$0x1] =	vst.idx.msk $0xffff, v3  }
0x13a: {  	v3 =	vld.idx.msk [tilespmem:v55+s2+$0x0], $0xffff  }
0x13b: {  	v56 =	vadd.s32 $0x1700, v2;
	_ =	sdelay $0x3  }
0x13c: {  	[tilespmem:v1+s24+$0xDC00 ss:$0x1] =	vst.idx.msk $0xffff, v3  }
0x13d: {  	v3 =	vld.idx.msk [tilespmem:v56+s2+$0x0], $0xffff  }
0x13e: {  	v57 =	vadd.s32 $0x1800, v2;
	_ =	sdelay $0x3  }
0x13f: {  	[tilespmem:v1+s24+$0xE600 ss:$0x1] =	vst.idx.msk $0xffff, v3  }
0x140: {  	v3 =	vld.idx.msk [tilespmem:v57+s2+$0x0], $0xffff  }
0x141: {  	v58 =	vadd.s32 $0x1900, v2;
	_ =	sdelay $0x3  }
0x142: {  	[tilespmem:v1+s24+$0xF000 ss:$0x1] =	vst.idx.msk $0xffff, v3  }
0x143: {  	v3 =	vld.idx.msk [tilespmem:v58+s2+$0x0], $0xffff  }
0x144: {  	v59 =	vadd.s32 $0x1A00, v2;
	_ =	sdelay $0x3  }
0x145: {  	[tilespmem:v1+s24+$0xFA00 ss:$0x1] =	vst.idx.msk $0xffff, v3  }
0x146: {  	v3 =	vld.idx.msk [tilespmem:v59+s2+$0x0], $0xffff  }
0x147: {  	v60 =	vadd.s32 $0x1B00, v2;
	_ =	sdelay $0x3  }
0x148: {  	[tilespmem:v1+s24+$0x10400 ss:$0x1] =	vst.idx.msk $0xffff, v3  }
0x149: {  	v3 =	vld.idx.msk [tilespmem:v60+s2+$0x0], $0xffff  }
0x14a: {  	v61 =	vadd.s32 $0x1C00, v2;
	_ =	sdelay $0x3  }
0x14b: {  	[tilespmem:v1+s24+$0x10E00 ss:$0x1] =	vst.idx.msk $0xffff, v3  }
0x14c: {  	v3 =	vld.idx.msk [tilespmem:v61+s2+$0x0], $0xffff  }
0x14d: {  	v62 =	vadd.s32 $0x1D00, v2;
	_ =	sdelay $0x3  }
0x14e: {  	[tilespmem:v1+s24+$0x11800 ss:$0x1] =	vst.idx.msk $0xffff, v3  }
0x14f: {  	v3 =	vld.idx.msk [tilespmem:v62+s2+$0x0], $0xffff  }
0x150: {  	v63 =	vadd.s32 $0x1E00, v2;
	_ =	sdelay $0x3  }
0x151: {  	[tilespmem:v1+s24+$0x12200 ss:$0x1] =	vst.idx.msk $0xffff, v3  }
0x152: {  	v3 =	vld.idx.msk [tilespmem:v63+s2+$0x0], $0xffff  }
0x153: {  	v2 =	vadd.s32 $0x1F00, v2;
	_ =	sdelay $0x3  }
0x154: {  	s21 =	sadd.s32 $0x1, s21;
	[tilespmem:v1+s24+$0x12C00 ss:$0x1] =	vst.idx.msk $0xffff, v3  }
0x155: {  	p0 =	sne.s32 s21, $0xA;
	v2 =	vld.idx.msk [tilespmem:v2+s2+$0x0], $0xffff  }
.Ltmp1:
0x156: {  	_ = 	snop;
	(pc) =	sbr.rel @p0 .LBB2_3-.Ltmp1, $2  }
0x157: {  	_ =	sdelay $0x2  }
0x158: {  	s20 =	sadd.s32 $0x100, s20;
	s19 =	sadd.s32 $0x100, s19;
	[tilespmem:v1+s24+$0x13600 ss:$0x1] =	vst.idx.msk $0xffff, v2  }
0x159: {  	s17 =	sadd.s32 s9, s17;
	s16 =	sadd.s32 $0x1, s16  }
0x15a: {  	s17 =	sshrl.u32 s17, $0x3;
	p0 =	sne.s32 s16, $0x8  }
.Ltmp2:
0x15b: {  	s17 =	sadd.s32 s5, s17;
	(pc) =	sbr.rel @p0 .LBB2_2-.Ltmp2, $4  }
0x15c: {  	[hbm4b:s17+s11] =	stream.strided.scatter [tilespmem:s14], [sflag:$0x1], $0x14000, s12, s11, $0x38;
	[tilespmem:$0x16A00] =	vst v63  }
0x15d: {  	_ =	swait.ge [sflag:s13], $0x14000  }
0x15e: {  	[sflag:s13] =	ssyncset.done $0x0  }
0x15f: {  	[sflag:s13] =	ssyncadd.s32 $0xFFFEC000  }
0x160: {  	s15 =	sadd.s32 $0x1, s15  }
0x161: {  	p0 =	sne.s32 s15, s10  }
.Ltmp3:
0x162: {  	_ = 	snop;
	(pc) =	sbr.rel @p0 .LBB2_1-.Ltmp3, $1  }
0x163: {  	_ =	sdelay $0x3  }
0x164: {  	_ =	sfence.sel $0x180000  }
0x165: {  	[bflag:$0x0] =	sbarrier.arrive $0xFFFF  }
0x166: {  	p0 =	sne.s32 s3, $0x0;
	_ =	strace $0x90000047  }
0x167: {  	s0 =	sadd.s32 @!p0 $0x100000, s0;
	[bflag:$0x2] =	sbarrier.arrive $0xFFFF  }
0x168: {  	[sflag:s0] =	ssyncadd.tile.s32 @!p0 $0x1;
	_ =	shalt  }
.Lfunc_end2:
_tile_overlayer_lowered:
.L_overlay_start_2:
0x169: {  	(tag) =	ssettag $0x2  }
0x16a: {  	s0 =	rddreg [dreg:$0x0];
	s2 =	stileid.u32  }
0x16b: {  	s1 =	rddreg [dreg:$0x1];
	p0 =	sne.s32 s2, $0x0  }
0x16c: {  	s3 =	rddreg [dreg:$0x2];
	[bflag:$0x3] =	sbarrier.arrive $0xFFFF;
	s2 =	simm.s32 @!p0 $0x1C01  }
0x16d: {  	[timem:s3], [sflag:s2] =	dma.local @!p0 [hbm:s0], s1  }
0x16e: {  	s0 =	simm.s32 @!p0 $0x1  }
0x16f: {  	_ =	swait.ge @!p0 [sflag:s0], s1  }
0x170: {  	s1 =	ssub.s32 @!p0 $0x0, s1;
	[sflag:s0] =	ssyncset.done @!p0 $0x0  }
0x171: {  	[sflag:s0] =	ssyncadd.s32 @!p0 s1  }
0x172: {  	[bflag:$0x3] =	sbarrier.arrive $0xFFFF  }
0x173: {  	_ =	shalt  }

</sc_bundles>
